<compile_context>
chip_gen: v7x
topology: tpu7x:2x2x1
jax: 0.10.2.dev20260603
libtpu: 0.0.44.dev20260713+nightly
codegen_flags: <defaults>
</compile_context>

<pallas_src>
import functools

import jax
import jax.numpy as jnp
from jax import lax
from jax.experimental import pallas as pl
from jax.experimental.pallas import tpu as pltpu
from jax.experimental.pallas import tpu_sc as plsc

D = 64
K3 = 27
LANES = 16
NTILES = 32


CENTER = 13


def _mm_body(x_ref, w_ref, b_ref, y_ref):
    k = pl.program_id(1)
    y = jnp.dot(x_ref[...], w_ref[0], preferred_element_type=jnp.float32)
    y_ref[...] = y + b_ref[0] * (k == CENTER).astype(jnp.float32)


def _tc_matmuls(feats_p, weight, bias, NP, blk=512):
    nb = NP // blk
    return pl.pallas_call(
        _mm_body,
        grid=(nb, K3),
        in_specs=[
            pl.BlockSpec((blk, 128), lambda b, k: (b, 0)),
            pl.BlockSpec((1, 128, 128), lambda b, k: (k, 0, 0)),
            pl.BlockSpec((1, 128), lambda b, k: (0, 0)),
        ],
        out_specs=pl.BlockSpec((blk, 128), lambda b, k, _nb=nb: (k * _nb + b, 0)),
        out_shape=jax.ShapeDtypeStruct((K3 * NP, 128), jnp.float32),
    )(feats_p, weight, bias.reshape(1, 128))




def _make_sc_gather(NP, NROWS, dump_row):
    P = NP // NTILES
    F = K3 * P
    R = (F + 127) // 128
    mesh = plsc.VectorSubcoreMesh(core_axis_name="c", subcore_axis_name="s")

    @functools.partial(
        pl.kernel,
        out_type=jax.ShapeDtypeStruct((NP, 128), jnp.float32),
        mesh=mesh,
        scratch_types=[
            pltpu.VMEM((R, 128), jnp.int32),
            pltpu.VMEM((R, 128), jnp.int32),
            pltpu.VMEM((R, 128), jnp.int32),
            pltpu.VMEM((R, 128), jnp.int32),
            pltpu.VMEM((128, 128), jnp.float32),
            pltpu.VMEM((128, 128), jnp.float32),
            pltpu.VMEM((P, 128), jnp.float32),
            pltpu.SemaphoreType.DMA,
            pltpu.SemaphoreType.DMA,
            pltpu.SemaphoreType.DMA,
        ],
    )
    def sc_gather(table_hbm, addr_hbm, kb_hbm, y_hbm, out_hbm,
                  addr_v, tv_v, kb_v, rows_v, gb0, gb1, acc_v,
                  sem_t, sem0, sem1):
        wid = lax.axis_index("s") * 2 + lax.axis_index("c")

        pltpu.sync_copy(addr_hbm.at[wid], addr_v)
        pltpu.sync_copy(kb_hbm, kb_v)

        @pl.loop(0, R)
        def _tbl(r):
            pltpu.async_copy(table_hbm.at[addr_v.at[r]], tv_v.at[r],
                             sem_t).wait()

        @pl.loop(0, R)
        def _rows(r):
            for c in range(8):
                sl = pl.ds(c * LANES, LANES)
                v = tv_v[r, sl]
                rows_v[r, sl] = jnp.where(v < 0, dump_row, v + kb_v[r, sl])

        zeros = jnp.zeros((LANES,), jnp.float32)

        @pl.loop(0, P)
        def _zero(p):
            for c in range(8):
                acc_v[p, pl.ds(c * LANES, LANES)] = zeros

        def start(r, gb, sem):
            return pltpu.async_copy(y_hbm.at[rows_v.at[r]], gb, sem)

        def wait(gb, sem):
            pltpu.make_async_copy(y_hbm.at[rows_v.at[0]], gb, sem).wait()

        def accum(r, gb):
            @pl.loop(0, 128)
            def _acc(j):
                f = r * 128 + j
                p = f - (f // P) * P
                for c in range(8):
                    sl = pl.ds(c * LANES, LANES)
                    plsc.addupdate(acc_v.at[p, sl], gb[j, sl])

        start(0, gb0, sem0)

        @pl.loop(0, R, step=2)
        def _main(r2):
            start(r2 + 1, gb1, sem1)
            wait(gb0, sem0)
            accum(r2, gb0)

            @pl.when(r2 + 2 < R)
            def _():
                start(r2 + 2, gb0, sem0)

            wait(gb1, sem1)
            accum(r2 + 1, gb1)

        pltpu.sync_copy(acc_v, out_hbm.at[pl.ds(wid * P, P)])

    return sc_gather




@jax.jit
def kernel(feats, coords, weight, bias):
    n = feats.shape[0]
    NP = ((n + NTILES * 8 - 1) // (NTILES * 8)) * (NTILES * 8)
    if NP // NTILES % 8:
        NP = NTILES * (((NP // NTILES) + 7) // 8 * 8)
    P = NP // NTILES
    F = K3 * P
    R = (F + 127) // 128
    FP = R * 128
    D3 = D * D * D
    dump_table = D3
    dump_row = NP - 8

    flat = (coords[:, 0] * D + coords[:, 1]) * D + coords[:, 2]
    table = jnp.full((D3 + 8,), -1, dtype=jnp.int32).at[flat].set(
        jnp.arange(n, dtype=jnp.int32))

    addrs = []
    for dx in (-1, 0, 1):
        for dy in (-1, 0, 1):
            for dz in (-1, 0, 1):
                off = jnp.array([dx, dy, dz], dtype=jnp.int32)
                nb = coords + off
                inb = jnp.all((nb >= 0) & (nb < D), axis=1)
                nbc = jnp.clip(nb, 0, D - 1)
                nflat = (nbc[:, 0] * D + nbc[:, 1]) * D + nbc[:, 2]
                addrs.append(jnp.where(inb, nflat, dump_table))
    addr = jnp.stack(addrs)
    addr = jnp.pad(addr, ((0, 0), (0, NP - n)),
                   constant_values=dump_table)
    addr_t = addr.reshape(K3, NTILES, P).transpose(1, 0, 2).reshape(NTILES, F)
    addr_t = jnp.pad(addr_t, ((0, 0), (0, FP - F)),
                     constant_values=dump_table).reshape(NTILES, R, 128)

    kb = jnp.minimum(jnp.arange(FP, dtype=jnp.int32) // P, K3 - 1) * NP
    kb = kb.reshape(R, 128)

    feats_p = jnp.pad(feats, ((0, NP - n), (0, 0)))

    y = _tc_matmuls(feats_p, weight, bias, NP)

    out = _make_sc_gather(NP, K3 * NP, dump_row)(table, addr_t, kb, y)
    return out[:n]

# --- scband reference (transcript-rebuilt; emitter-appended) ---
"""Pipeline reference for scband-sparse-conv3d-20229295964829 (READ-ONLY COPY).

The authoritative reference and input builder live on the scoring server;
editing this copy changes nothing except your own understanding.
"""

import jax, jax.numpy as jnp
import numpy as np

D = 64  # spatial grid extent per axis
K = 3   # kernel size
N = 10000
CIN = 128
COUT = 128

def setup_inputs(seed: int = 0) -> dict:
    key = jax.random.key(seed)
    k1, k2, k3, k4 = jax.random.split(key, 4)
    feats = jax.random.normal(k1, (N, CIN), dtype=jnp.float32)
    coords = jax.random.randint(k2, (N, 3), 0, D).astype(jnp.int32)
    weight = jax.random.normal(k3, (K * K * K, CIN, COUT), dtype=jnp.float32) * (1.0 / np.sqrt(CIN * K * K * K))
    bias = jax.random.normal(k4, (COUT,), dtype=jnp.float32) * 0.01
    return {"feats": feats, "coords": coords, "weight": weight, "bias": bias}

def reference(feats, coords, weight, bias):
    # Submanifold sparse 3D convolution (stride=1, dilation=1, same padding):
    # output sites == input sites. For each of the 27 kernel offsets, look up
    # the neighbor voxel via a dense hash grid (gather), apply the per-offset
    # weight matrix, and accumulate.
    n = feats.shape[0]
    flat = (coords[:, 0] * D + coords[:, 1]) * D + coords[:, 2]
    table = jnp.full((D * D * D,), -1, dtype=jnp.int32).at[flat].set(
        jnp.arange(n, dtype=jnp.int32))
    out = jnp.zeros((n, weight.shape[2]), dtype=feats.dtype)
    kidx = 0
    for dx in (-1, 0, 1):
        for dy in (-1, 0, 1):
            for dz in (-1, 0, 1):
                off = jnp.array([dx, dy, dz], dtype=jnp.int32)
                nb = coords + off
                inb = jnp.all((nb >= 0) & (nb < D), axis=1)
                nbc = jnp.clip(nb, 0, D - 1)
                nflat = (nbc[:, 0] * D + nbc[:, 1]) * D + nbc[:, 2]
                idx = jnp.take(table, nflat)
                mask = inb & (idx >= 0)
                gathered = jnp.where(mask[:, None],
                                     jnp.take(feats, jnp.maximum(idx, 0), axis=0),
                                     0.0)
                out = out + gathered @ weight[kidx]
                kidx += 1
    return out + bias

if __name__ == "__main__":
    import jax
    _d = setup_inputs()
    print(jax.jit(kernel)(*tuple(_d.values())))

</pallas_src>

<mosaic_0001>
#map = affine_map<(d0, d1) -> (0)>
#map1 = affine_map<(d0, d1) -> (0, 0, 0)>
#map2 = affine_map<(d0, d1) -> (0, 0)>
module attributes {stable_mosaic.version = 14 : i64} {
  func.func @sc_gather(%arg0: i32, %arg1: i32, %arg2: memref<262152xi32, #tpu.memory_space<hbm>>, %arg3: memref<32x68x128xi32, #tpu.memory_space<hbm>>, %arg4: memref<68x128xi32, #tpu.memory_space<hbm>>, %arg5: memref<276480x128xf32, #tpu.memory_space<hbm>>, %arg6: memref<10240x128xf32, #tpu.memory_space<hbm>>, %arg7: memref<68x128xi32, #tpu.memory_space<vmem>>, %arg8: memref<68x128xi32, #tpu.memory_space<vmem>>, %arg9: memref<68x128xi32, #tpu.memory_space<vmem>>, %arg10: memref<68x128xi32, #tpu.memory_space<vmem>>, %arg11: memref<128x128xf32, #tpu.memory_space<vmem>>, %arg12: memref<128x128xf32, #tpu.memory_space<vmem>>, %arg13: memref<320x128xf32, #tpu.memory_space<vmem>>, %arg14: memref<!tpu.dma_semaphore, #tpu.memory_space<semaphore_mem>>, %arg15: memref<!tpu.dma_semaphore, #tpu.memory_space<semaphore_mem>>, %arg16: memref<!tpu.dma_semaphore, #tpu.memory_space<semaphore_mem>>) attributes {dimension_semantics = [#tpu.dimension_semantics<core_parallel>, #tpu.dimension_semantics<subcore_parallel>], iteration_bounds = array<i64: 2, 16>, scalar_prefetch = 0 : i64, scratch_operands = 10 : i64, tpu.core_type = #tpu.core_type<sc_vector_subcore>, window_params = [{transform_indices = #map}, {transform_indices = #map1}, {transform_indices = #map2}, {transform_indices = #map2}, {transform_indices = #map2}]} {
    %mul3A = arith.constant 2 : i32
    %mul3A_0 = arith.muli %arg1, %mul3A : i32
    %add3A = arith.addi %mul3A_0, %arg0 : i32
    "tpu.region"() ({
      %run_scoped3A = tpu.sem_alloc : memref<!tpu.dma_semaphore, #tpu.memory_space<semaphore_mem>>
      %dma_start3A_29 = arith.constant 0 : i32
      %dma_start3A_30 = arith.constant 0 : i32
      %dma_start3A_31 = tpu.memref_slice %arg3[%add3A, %dma_start3A_29, %dma_start3A_30] : memref<32x68x128xi32, #tpu.memory_space<hbm>> -> memref<1x68x128xi32, #tpu.memory_space<hbm>>
      %dma_start3A_32 = tpu.memref_squeeze %dma_start3A_31 : memref<1x68x128xi32, #tpu.memory_space<hbm>> -> memref<68x128xi32, #tpu.memory_space<hbm>>
      %dma_start3A_33 = arith.constant 0 : i32
      %dma_start3A_34 = arith.constant 0 : i32
      %dma_start3A_35 = tpu.memref_slice %arg3[%add3A, %dma_start3A_33, %dma_start3A_34] : memref<32x68x128xi32, #tpu.memory_space<hbm>> -> memref<1x68x128xi32, #tpu.memory_space<hbm>>
      %dma_start3A_36 = tpu.memref_squeeze %dma_start3A_35 : memref<1x68x128xi32, #tpu.memory_space<hbm>> -> memref<68x128xi32, #tpu.memory_space<hbm>>
      tpu.enqueue_dma source(%dma_start3A_36 : memref<68x128xi32, #tpu.memory_space<hbm>>) target(%arg7 : memref<68x128xi32, #tpu.memory_space<vmem>>) target_semaphore(%run_scoped3A : memref<!tpu.dma_semaphore, #tpu.memory_space<semaphore_mem>>)
      %dma_wait3A = arith.constant 0 : i32
      %dma_wait3A_37 = arith.constant 0 : i32
      %dma_wait3A_38 = tpu.memref_slice %arg3[%add3A, %dma_wait3A, %dma_wait3A_37] : memref<32x68x128xi32, #tpu.memory_space<hbm>> -> memref<1x68x128xi32, #tpu.memory_space<hbm>>
      %dma_wait3A_39 = tpu.memref_squeeze %dma_wait3A_38 : memref<1x68x128xi32, #tpu.memory_space<hbm>> -> memref<68x128xi32, #tpu.memory_space<hbm>>
      %dma_wait3A_40 = arith.constant 0 : i32
      %dma_wait3A_41 = arith.constant 0 : i32
      %dma_wait3A_42 = tpu.memref_slice %arg3[%add3A, %dma_wait3A_40, %dma_wait3A_41] : memref<32x68x128xi32, #tpu.memory_space<hbm>> -> memref<1x68x128xi32, #tpu.memory_space<hbm>>
      %dma_wait3A_43 = tpu.memref_squeeze %dma_wait3A_42 : memref<1x68x128xi32, #tpu.memory_space<hbm>> -> memref<68x128xi32, #tpu.memory_space<hbm>>
      tpu.wait_dma2 semaphore(%run_scoped3A : memref<!tpu.dma_semaphore, #tpu.memory_space<semaphore_mem>>) src(%dma_wait3A_43 : memref<68x128xi32, #tpu.memory_space<hbm>>) dst(%arg7 : memref<68x128xi32, #tpu.memory_space<vmem>>)
      tpu.yield
    }) : () -> ()
    "tpu.region"() ({
      %run_scoped3A = tpu.sem_alloc : memref<!tpu.dma_semaphore, #tpu.memory_space<semaphore_mem>>
      tpu.enqueue_dma source(%arg4 : memref<68x128xi32, #tpu.memory_space<hbm>>) target(%arg9 : memref<68x128xi32, #tpu.memory_space<vmem>>) target_semaphore(%run_scoped3A : memref<!tpu.dma_semaphore, #tpu.memory_space<semaphore_mem>>)
      tpu.wait_dma2 semaphore(%run_scoped3A : memref<!tpu.dma_semaphore, #tpu.memory_space<semaphore_mem>>) src(%arg4 : memref<68x128xi32, #tpu.memory_space<hbm>>) dst(%arg9 : memref<68x128xi32, #tpu.memory_space<vmem>>)
      tpu.yield
    }) : () -> ()
    %scan3A = arith.constant 0 : i32
    %scan3A_1 = arith.constant 68 : i32
    %scan3A_2 = arith.addi %scan3A, %scan3A_1 : i32
    %scan3A_3 = arith.constant 1 : i32
    scf.for %scan3A_29 = %scan3A to %scan3A_2 step %scan3A_3  : i32 {
      %mul3A_30 = arith.constant 1 : i32
      %mul3A_31 = arith.muli %scan3A_29, %mul3A_30 : i32
      %add3A_32 = arith.constant 0 : i32
      %add3A_33 = arith.addi %add3A_32, %mul3A_31 : i32
      %dma_start3A_34 = arith.constant 0 : i32
      %dma_start3A_35 = tpu.memref_slice %arg8[%add3A_33, %dma_start3A_34] : memref<68x128xi32, #tpu.memory_space<vmem>> -> memref<1x128xi32, #tpu.memory_space<vmem>>
      %dma_start3A_36 = tpu.memref_squeeze %dma_start3A_35 : memref<1x128xi32, #tpu.memory_space<vmem>> -> memref<128xi32, #tpu.memory_space<vmem>>
      %dma_start3A_37 = arith.constant 0 : i32
      %dma_start3A_38 = tpu.memref_slice %arg7[%add3A_33, %dma_start3A_37] : memref<68x128xi32, #tpu.memory_space<vmem>> -> memref<1x128xi32, #tpu.memory_space<vmem>>
      %dma_start3A_39 = tpu.memref_squeeze %dma_start3A_38 : memref<1x128xi32, #tpu.memory_space<vmem>> -> memref<128xi32, #tpu.memory_space<vmem>>
      %dma_start3A_40 = arith.constant 0 : i32
      %dma_start3A_41 = tpu.memref_slice %arg2[%dma_start3A_40] : memref<262152xi32, #tpu.memory_space<hbm>> -> memref<262152xi32, #tpu.memory_space<hbm>>
      tpu.enqueue_indirect_dma source(%dma_start3A_41 : memref<262152xi32, #tpu.memory_space<hbm>>) target(%dma_start3A_36 : memref<128xi32, #tpu.memory_space<vmem>>) offsets(%dma_start3A_39 : memref<128xi32, #tpu.memory_space<vmem>>) semaphore(%arg14 : memref<!tpu.dma_semaphore, #tpu.memory_space<semaphore_mem>>)
      %dma_wait3A = arith.constant 0 : i32
      %dma_wait3A_42 = tpu.memref_slice %arg8[%add3A_33, %dma_wait3A] : memref<68x128xi32, #tpu.memory_space<vmem>> -> memref<1x128xi32, #tpu.memory_space<vmem>>
      %dma_wait3A_43 = tpu.memref_squeeze %dma_wait3A_42 : memref<1x128xi32, #tpu.memory_space<vmem>> -> memref<128xi32, #tpu.memory_space<vmem>>
      %dma_wait3A_44 = arith.constant 0 : i32
      %dma_wait3A_45 = tpu.memref_slice %arg7[%add3A_33, %dma_wait3A_44] : memref<68x128xi32, #tpu.memory_space<vmem>> -> memref<1x128xi32, #tpu.memory_space<vmem>>
      %dma_wait3A_46 = tpu.memref_squeeze %dma_wait3A_45 : memref<1x128xi32, #tpu.memory_space<vmem>> -> memref<128xi32, #tpu.memory_space<vmem>>
      %dma_wait3A_47 = arith.constant 0 : i32
      %dma_wait3A_48 = tpu.memref_slice %arg2[%dma_wait3A_47] : memref<262152xi32, #tpu.memory_space<hbm>> -> memref<262152xi32, #tpu.memory_space<hbm>>
      tpu.wait_indirect_dma semaphore(%arg14 : memref<!tpu.dma_semaphore, #tpu.memory_space<semaphore_mem>>) src(%dma_wait3A_48 : memref<262152xi32, #tpu.memory_space<hbm>>) dst(%dma_wait3A_43 : memref<128xi32, #tpu.memory_space<vmem>>)
    }
    %scan3A_4 = arith.constant 68 : i32
    %scan3A_5 = arith.constant 0 : i32
    %scan3A_6 = arith.constant 68 : i32
    %scan3A_7 = arith.addi %scan3A_5, %scan3A_6 : i32
    %scan3A_8 = arith.constant 1 : i32
    scf.for %scan3A_29 = %scan3A_5 to %scan3A_7 step %scan3A_8  : i32 {
      %mul3A_30 = arith.constant 1 : i32
      %mul3A_31 = arith.muli %scan3A_29, %mul3A_30 : i32
      %add3A_32 = arith.constant 0 : i32
      %add3A_33 = arith.addi %add3A_32, %mul3A_31 : i32
      %get3A = arith.index_cast %add3A_33 : i32 to index
      %get3A_34 = arith.constant 0 : index
      %get3A_35 = tpu.vector_load %arg8[%get3A, %get3A_34] {strides = array<i32>} : memref<68x128xi32, #tpu.memory_space<vmem>>, vector<1x16xi32>,
      %get3A_36 = vector.shape_cast %get3A_35 : vector<1x16xi32> to vector<16xi32>
      %lt3A = arith.constant 0 : i32
      %lt3A_37 = vector.broadcast %lt3A : i32 to vector<16xi32>
      %lt3A_38 = arith.cmpi slt, %get3A_36, %lt3A_37 : vector<16xi32>
      %get3A_39 = arith.index_cast %add3A_33 : i32 to index
      %get3A_40 = arith.constant 0 : index
      %get3A_41 = tpu.vector_load %arg9[%get3A_39, %get3A_40] {strides = array<i32>} : memref<68x128xi32, #tpu.memory_space<vmem>>, vector<1x16xi32>,
      %get3A_42 = vector.shape_cast %get3A_41 : vector<1x16xi32> to vector<16xi32>
      %add3A_43 = arith.addi %get3A_36, %get3A_42 : vector<16xi32>
      %jit3A = arith.constant 10232 : i32
      %broadcast_in_dim3A_44 = vector.broadcast %jit3A : i32 to vector<16xi32>
      %select_n3A = arith.select %lt3A_38, %broadcast_in_dim3A_44, %add3A_43 : vector<16xi1>, vector<16xi32>
      %swap3A = arith.index_cast %add3A_33 : i32 to index
      %swap3A_45 = arith.constant 0 : index
      %swap3A_46 = tpu.vector_load %arg10[%swap3A, %swap3A_45] {strides = array<i32>} : memref<68x128xi32, #tpu.memory_space<vmem>>, vector<1x16xi32>,
      %swap3A_47 = vector.shape_cast %swap3A_46 : vector<1x16xi32> to vector<16xi32>
      %swap3A_48 = vector.shape_cast %select_n3A : vector<16xi32> to vector<1x16xi32>
      tpu.vector_store %arg10[%swap3A, %swap3A_45], %swap3A_48 {strides = array<i32>} : memref<68x128xi32, #tpu.memory_space<vmem>>, vector<1x16xi32>,
      %get3A_49 = arith.index_cast %add3A_33 : i32 to index
      %get3A_50 = arith.constant 16 : index
      %get3A_51 = tpu.vector_load %arg8[%get3A_49, %get3A_50] {strides = array<i32>} : memref<68x128xi32, #tpu.memory_space<vmem>>, vector<1x16xi32>,
      %get3A_52 = vector.shape_cast %get3A_51 : vector<1x16xi32> to vector<16xi32>
      %lt3A_53 = arith.constant 0 : i32
      %lt3A_54 = vector.broadcast %lt3A_53 : i32 to vector<16xi32>
      %lt3A_55 = arith.cmpi slt, %get3A_52, %lt3A_54 : vector<16xi32>
      %get3A_56 = arith.index_cast %add3A_33 : i32 to index
      %get3A_57 = arith.constant 16 : index
      %get3A_58 = tpu.vector_load %arg9[%get3A_56, %get3A_57] {strides = array<i32>} : memref<68x128xi32, #tpu.memory_space<vmem>>, vector<1x16xi32>,
      %get3A_59 = vector.shape_cast %get3A_58 : vector<1x16xi32> to vector<16xi32>
      %add3A_60 = arith.addi %get3A_52, %get3A_59 : vector<16xi32>
      %jit3A_61 = arith.constant 10232 : i32
      %broadcast_in_dim3A_62 = vector.broadcast %jit3A_61 : i32 to vector<16xi32>
      %select_n3A_63 = arith.select %lt3A_55, %broadcast_in_dim3A_62, %add3A_60 : vector<16xi1>, vector<16xi32>
      %swap3A_64 = arith.index_cast %add3A_33 : i32 to index
      %swap3A_65 = arith.constant 16 : index
      %swap3A_66 = tpu.vector_load %arg10[%swap3A_64, %swap3A_65] {strides = array<i32>} : memref<68x128xi32, #tpu.memory_space<vmem>>, vector<1x16xi32>,
      %swap3A_67 = vector.shape_cast %swap3A_66 : vector<1x16xi32> to vector<16xi32>
      %swap3A_68 = vector.shape_cast %select_n3A_63 : vector<16xi32> to vector<1x16xi32>
      tpu.vector_store %arg10[%swap3A_64, %swap3A_65], %swap3A_68 {strides = array<i32>} : memref<68x128xi32, #tpu.memory_space<vmem>>, vector<1x16xi32>,
      %get3A_69 = arith.index_cast %add3A_33 : i32 to index
      %get3A_70 = arith.constant 32 : index
      %get3A_71 = tpu.vector_load %arg8[%get3A_69, %get3A_70] {strides = array<i32>} : memref<68x128xi32, #tpu.memory_space<vmem>>, vector<1x16xi32>,
      %get3A_72 = vector.shape_cast %get3A_71 : vector<1x16xi32> to vector<16xi32>
      %lt3A_73 = arith.constant 0 : i32
      %lt3A_74 = vector.broadcast %lt3A_73 : i32 to vector<16xi32>
      %lt3A_75 = arith.cmpi slt, %get3A_72, %lt3A_74 : vector<16xi32>
      %get3A_76 = arith.index_cast %add3A_33 : i32 to index
      %get3A_77 = arith.constant 32 : index
      %get3A_78 = tpu.vector_load %arg9[%get3A_76, %get3A_77] {strides = array<i32>} : memref<68x128xi32, #tpu.memory_space<vmem>>, vector<1x16xi32>,
      %get3A_79 = vector.shape_cast %get3A_78 : vector<1x16xi32> to vector<16xi32>
      %add3A_80 = arith.addi %get3A_72, %get3A_79 : vector<16xi32>
      %jit3A_81 = arith.constant 10232 : i32
      %broadcast_in_dim3A_82 = vector.broadcast %jit3A_81 : i32 to vector<16xi32>
      %select_n3A_83 = arith.select %lt3A_75, %broadcast_in_dim3A_82, %add3A_80 : vector<16xi1>, vector<16xi32>
      %swap3A_84 = arith.index_cast %add3A_33 : i32 to index
      %swap3A_85 = arith.constant 32 : index
      %swap3A_86 = tpu.vector_load %arg10[%swap3A_84, %swap3A_85] {strides = array<i32>} : memref<68x128xi32, #tpu.memory_space<vmem>>, vector<1x16xi32>,
      %swap3A_87 = vector.shape_cast %swap3A_86 : vector<1x16xi32> to vector<16xi32>
      %swap3A_88 = vector.shape_cast %select_n3A_83 : vector<16xi32> to vector<1x16xi32>
      tpu.vector_store %arg10[%swap3A_84, %swap3A_85], %swap3A_88 {strides = array<i32>} : memref<68x128xi32, #tpu.memory_space<vmem>>, vector<1x16xi32>,
      %get3A_89 = arith.index_cast %add3A_33 : i32 to index
      %get3A_90 = arith.constant 48 : index
      %get3A_91 = tpu.vector_load %arg8[%get3A_89, %get3A_90] {strides = array<i32>} : memref<68x128xi32, #tpu.memory_space<vmem>>, vector<1x16xi32>,
      %get3A_92 = vector.shape_cast %get3A_91 : vector<1x16xi32> to vector<16xi32>
      %lt3A_93 = arith.constant 0 : i32
      %lt3A_94 = vector.broadcast %lt3A_93 : i32 to vector<16xi32>
      %lt3A_95 = arith.cmpi slt, %get3A_92, %lt3A_94 : vector<16xi32>
      %get3A_96 = arith.index_cast %add3A_33 : i32 to index
      %get3A_97 = arith.constant 48 : index
      %get3A_98 = tpu.vector_load %arg9[%get3A_96, %get3A_97] {strides = array<i32>} : memref<68x128xi32, #tpu.memory_space<vmem>>, vector<1x16xi32>,
      %get3A_99 = vector.shape_cast %get3A_98 : vector<1x16xi32> to vector<16xi32>
      %add3A_100 = arith.addi %get3A_92, %get3A_99 : vector<16xi32>
      %jit3A_101 = arith.constant 10232 : i32
      %broadcast_in_dim3A_102 = vector.broadcast %jit3A_101 : i32 to vector<16xi32>
      %select_n3A_103 = arith.select %lt3A_95, %broadcast_in_dim3A_102, %add3A_100 : vector<16xi1>, vector<16xi32>
      %swap3A_104 = arith.index_cast %add3A_33 : i32 to index
      %swap3A_105 = arith.constant 48 : index
      %swap3A_106 = tpu.vector_load %arg10[%swap3A_104, %swap3A_105] {strides = array<i32>} : memref<68x128xi32, #tpu.memory_space<vmem>>, vector<1x16xi32>,
      %swap3A_107 = vector.shape_cast %swap3A_106 : vector<1x16xi32> to vector<16xi32>
      %swap3A_108 = vector.shape_cast %select_n3A_103 : vector<16xi32> to vector<1x16xi32>
      tpu.vector_store %arg10[%swap3A_104, %swap3A_105], %swap3A_108 {strides = array<i32>} : memref<68x128xi32, #tpu.memory_space<vmem>>, vector<1x16xi32>,
      %get3A_109 = arith.index_cast %add3A_33 : i32 to index
      %get3A_110 = arith.constant 64 : index
      %get3A_111 = tpu.vector_load %arg8[%get3A_109, %get3A_110] {strides = array<i32>} : memref<68x128xi32, #tpu.memory_space<vmem>>, vector<1x16xi32>,
      %get3A_112 = vector.shape_cast %get3A_111 : vector<1x16xi32> to vector<16xi32>
      %lt3A_113 = arith.constant 0 : i32
      %lt3A_114 = vector.broadcast %lt3A_113 : i32 to vector<16xi32>
      %lt3A_115 = arith.cmpi slt, %get3A_112, %lt3A_114 : vector<16xi32>
      %get3A_116 = arith.index_cast %add3A_33 : i32 to index
      %get3A_117 = arith.constant 64 : index
      %get3A_118 = tpu.vector_load %arg9[%get3A_116, %get3A_117] {strides = array<i32>} : memref<68x128xi32, #tpu.memory_space<vmem>>, vector<1x16xi32>,
      %get3A_119 = vector.shape_cast %get3A_118 : vector<1x16xi32> to vector<16xi32>
      %add3A_120 = arith.addi %get3A_112, %get3A_119 : vector<16xi32>
      %jit3A_121 = arith.constant 10232 : i32
      %broadcast_in_dim3A_122 = vector.broadcast %jit3A_121 : i32 to vector<16xi32>
      %select_n3A_123 = arith.select %lt3A_115, %broadcast_in_dim3A_122, %add3A_120 : vector<16xi1>, vector<16xi32>
      %swap3A_124 = arith.index_cast %add3A_33 : i32 to index
      %swap3A_125 = arith.constant 64 : index
      %swap3A_126 = tpu.vector_load %arg10[%swap3A_124, %swap3A_125] {strides = array<i32>} : memref<68x128xi32, #tpu.memory_space<vmem>>, vector<1x16xi32>,
      %swap3A_127 = vector.shape_cast %swap3A_126 : vector<1x16xi32> to vector<16xi32>
      %swap3A_128 = vector.shape_cast %select_n3A_123 : vector<16xi32> to vector<1x16xi32>
      tpu.vector_store %arg10[%swap3A_124, %swap3A_125], %swap3A_128 {strides = array<i32>} : memref<68x128xi32, #tpu.memory_space<vmem>>, vector<1x16xi32>,
      %get3A_129 = arith.index_cast %add3A_33 : i32 to index
      %get3A_130 = arith.constant 80 : index
      %get3A_131 = tpu.vector_load %arg8[%get3A_129, %get3A_130] {strides = array<i32>} : memref<68x128xi32, #tpu.memory_space<vmem>>, vector<1x16xi32>,
      %get3A_132 = vector.shape_cast %get3A_131 : vector<1x16xi32> to vector<16xi32>
      %lt3A_133 = arith.constant 0 : i32
      %lt3A_134 = vector.broadcast %lt3A_133 : i32 to vector<16xi32>
      %lt3A_135 = arith.cmpi slt, %get3A_132, %lt3A_134 : vector<16xi32>
      %get3A_136 = arith.index_cast %add3A_33 : i32 to index
      %get3A_137 = arith.constant 80 : index
      %get3A_138 = tpu.vector_load %arg9[%get3A_136, %get3A_137] {strides = array<i32>} : memref<68x128xi32, #tpu.memory_space<vmem>>, vector<1x16xi32>,
      %get3A_139 = vector.shape_cast %get3A_138 : vector<1x16xi32> to vector<16xi32>
      %add3A_140 = arith.addi %get3A_132, %get3A_139 : vector<16xi32>
      %jit3A_141 = arith.constant 10232 : i32
      %broadcast_in_dim3A_142 = vector.broadcast %jit3A_141 : i32 to vector<16xi32>
      %select_n3A_143 = arith.select %lt3A_135, %broadcast_in_dim3A_142, %add3A_140 : vector<16xi1>, vector<16xi32>
      %swap3A_144 = arith.index_cast %add3A_33 : i32 to index
      %swap3A_145 = arith.constant 80 : index
      %swap3A_146 = tpu.vector_load %arg10[%swap3A_144, %swap3A_145] {strides = array<i32>} : memref<68x128xi32, #tpu.memory_space<vmem>>, vector<1x16xi32>,
      %swap3A_147 = vector.shape_cast %swap3A_146 : vector<1x16xi32> to vector<16xi32>
      %swap3A_148 = vector.shape_cast %select_n3A_143 : vector<16xi32> to vector<1x16xi32>
      tpu.vector_store %arg10[%swap3A_144, %swap3A_145], %swap3A_148 {strides = array<i32>} : memref<68x128xi32, #tpu.memory_space<vmem>>, vector<1x16xi32>,
      %get3A_149 = arith.index_cast %add3A_33 : i32 to index
      %get3A_150 = arith.constant 96 : index
      %get3A_151 = tpu.vector_load %arg8[%get3A_149, %get3A_150] {strides = array<i32>} : memref<68x128xi32, #tpu.memory_space<vmem>>, vector<1x16xi32>,
      %get3A_152 = vector.shape_cast %get3A_151 : vector<1x16xi32> to vector<16xi32>
      %lt3A_153 = arith.constant 0 : i32
      %lt3A_154 = vector.broadcast %lt3A_153 : i32 to vector<16xi32>
      %lt3A_155 = arith.cmpi slt, %get3A_152, %lt3A_154 : vector<16xi32>
      %get3A_156 = arith.index_cast %add3A_33 : i32 to index
      %get3A_157 = arith.constant 96 : index
      %get3A_158 = tpu.vector_load %arg9[%get3A_156, %get3A_157] {strides = array<i32>} : memref<68x128xi32, #tpu.memory_space<vmem>>, vector<1x16xi32>,
      %get3A_159 = vector.shape_cast %get3A_158 : vector<1x16xi32> to vector<16xi32>
      %add3A_160 = arith.addi %get3A_152, %get3A_159 : vector<16xi32>
      %jit3A_161 = arith.constant 10232 : i32
      %broadcast_in_dim3A_162 = vector.broadcast %jit3A_161 : i32 to vector<16xi32>
      %select_n3A_163 = arith.select %lt3A_155, %broadcast_in_dim3A_162, %add3A_160 : vector<16xi1>, vector<16xi32>
      %swap3A_164 = arith.index_cast %add3A_33 : i32 to index
      %swap3A_165 = arith.constant 96 : index
      %swap3A_166 = tpu.vector_load %arg10[%swap3A_164, %swap3A_165] {strides = array<i32>} : memref<68x128xi32, #tpu.memory_space<vmem>>, vector<1x16xi32>,
      %swap3A_167 = vector.shape_cast %swap3A_166 : vector<1x16xi32> to vector<16xi32>
      %swap3A_168 = vector.shape_cast %select_n3A_163 : vector<16xi32> to vector<1x16xi32>
      tpu.vector_store %arg10[%swap3A_164, %swap3A_165], %swap3A_168 {strides = array<i32>} : memref<68x128xi32, #tpu.memory_space<vmem>>, vector<1x16xi32>,
      %get3A_169 = arith.index_cast %add3A_33 : i32 to index
      %get3A_170 = arith.constant 112 : index
      %get3A_171 = tpu.vector_load %arg8[%get3A_169, %get3A_170] {strides = array<i32>} : memref<68x128xi32, #tpu.memory_space<vmem>>, vector<1x16xi32>,
      %get3A_172 = vector.shape_cast %get3A_171 : vector<1x16xi32> to vector<16xi32>
      %lt3A_173 = arith.constant 0 : i32
      %lt3A_174 = vector.broadcast %lt3A_173 : i32 to vector<16xi32>
      %lt3A_175 = arith.cmpi slt, %get3A_172, %lt3A_174 : vector<16xi32>
      %get3A_176 = arith.index_cast %add3A_33 : i32 to index
      %get3A_177 = arith.constant 112 : index
      %get3A_178 = tpu.vector_load %arg9[%get3A_176, %get3A_177] {strides = array<i32>} : memref<68x128xi32, #tpu.memory_space<vmem>>, vector<1x16xi32>,
      %get3A_179 = vector.shape_cast %get3A_178 : vector<1x16xi32> to vector<16xi32>
      %add3A_180 = arith.addi %get3A_172, %get3A_179 : vector<16xi32>
      %jit3A_181 = arith.constant 10232 : i32
      %broadcast_in_dim3A_182 = vector.broadcast %jit3A_181 : i32 to vector<16xi32>
      %select_n3A_183 = arith.select %lt3A_175, %broadcast_in_dim3A_182, %add3A_180 : vector<16xi1>, vector<16xi32>
      %swap3A_184 = arith.index_cast %add3A_33 : i32 to index
      %swap3A_185 = arith.constant 112 : index
      %swap3A_186 = tpu.vector_load %arg10[%swap3A_184, %swap3A_185] {strides = array<i32>} : memref<68x128xi32, #tpu.memory_space<vmem>>, vector<1x16xi32>,
      %swap3A_187 = vector.shape_cast %swap3A_186 : vector<1x16xi32> to vector<16xi32>
      %swap3A_188 = vector.shape_cast %select_n3A_183 : vector<16xi32> to vector<1x16xi32>
      tpu.vector_store %arg10[%swap3A_184, %swap3A_185], %swap3A_188 {strides = array<i32>} : memref<68x128xi32, #tpu.memory_space<vmem>>, vector<1x16xi32>,
    }
    %scan3A_9 = arith.constant 68 : i32
    %broadcast_in_dim3A = arith.constant 0.000000e+00 : f32
    %broadcast_in_dim3A_10 = vector.broadcast %broadcast_in_dim3A : f32 to vector<16xf32>
    %scan3A_11 = arith.constant 0 : i32
    %scan3A_12 = arith.constant 320 : i32
    %scan3A_13 = arith.addi %scan3A_11, %scan3A_12 : i32
    %scan3A_14 = arith.constant 1 : i32
    scf.for %scan3A_29 = %scan3A_11 to %scan3A_13 step %scan3A_14  : i32 {
      %mul3A_30 = arith.constant 1 : i32
      %mul3A_31 = arith.muli %scan3A_29, %mul3A_30 : i32
      %add3A_32 = arith.constant 0 : i32
      %add3A_33 = arith.addi %add3A_32, %mul3A_31 : i32
      %swap3A = arith.index_cast %add3A_33 : i32 to index
      %swap3A_34 = arith.constant 0 : index
      %swap3A_35 = tpu.vector_load %arg13[%swap3A, %swap3A_34] {strides = array<i32>} : memref<320x128xf32, #tpu.memory_space<vmem>>, vector<1x16xf32>,
      %swap3A_36 = vector.shape_cast %swap3A_35 : vector<1x16xf32> to vector<16xf32>
      %swap3A_37 = vector.shape_cast %broadcast_in_dim3A_10 : vector<16xf32> to vector<1x16xf32>
      tpu.vector_store %arg13[%swap3A, %swap3A_34], %swap3A_37 {strides = array<i32>} : memref<320x128xf32, #tpu.memory_space<vmem>>, vector<1x16xf32>,
      %swap3A_38 = arith.index_cast %add3A_33 : i32 to index
      %swap3A_39 = arith.constant 16 : index
      %swap3A_40 = tpu.vector_load %arg13[%swap3A_38, %swap3A_39] {strides = array<i32>} : memref<320x128xf32, #tpu.memory_space<vmem>>, vector<1x16xf32>,
      %swap3A_41 = vector.shape_cast %swap3A_40 : vector<1x16xf32> to vector<16xf32>
      %swap3A_42 = vector.shape_cast %broadcast_in_dim3A_10 : vector<16xf32> to vector<1x16xf32>
      tpu.vector_store %arg13[%swap3A_38, %swap3A_39], %swap3A_42 {strides = array<i32>} : memref<320x128xf32, #tpu.memory_space<vmem>>, vector<1x16xf32>,
      %swap3A_43 = arith.index_cast %add3A_33 : i32 to index
      %swap3A_44 = arith.constant 32 : index
      %swap3A_45 = tpu.vector_load %arg13[%swap3A_43, %swap3A_44] {strides = array<i32>} : memref<320x128xf32, #tpu.memory_space<vmem>>, vector<1x16xf32>,
      %swap3A_46 = vector.shape_cast %swap3A_45 : vector<1x16xf32> to vector<16xf32>
      %swap3A_47 = vector.shape_cast %broadcast_in_dim3A_10 : vector<16xf32> to vector<1x16xf32>
      tpu.vector_store %arg13[%swap3A_43, %swap3A_44], %swap3A_47 {strides = array<i32>} : memref<320x128xf32, #tpu.memory_space<vmem>>, vector<1x16xf32>,
      %swap3A_48 = arith.index_cast %add3A_33 : i32 to index
      %swap3A_49 = arith.constant 48 : index
      %swap3A_50 = tpu.vector_load %arg13[%swap3A_48, %swap3A_49] {strides = array<i32>} : memref<320x128xf32, #tpu.memory_space<vmem>>, vector<1x16xf32>,
      %swap3A_51 = vector.shape_cast %swap3A_50 : vector<1x16xf32> to vector<16xf32>
      %swap3A_52 = vector.shape_cast %broadcast_in_dim3A_10 : vector<16xf32> to vector<1x16xf32>
      tpu.vector_store %arg13[%swap3A_48, %swap3A_49], %swap3A_52 {strides = array<i32>} : memref<320x128xf32, #tpu.memory_space<vmem>>, vector<1x16xf32>,
      %swap3A_53 = arith.index_cast %add3A_33 : i32 to index
      %swap3A_54 = arith.constant 64 : index
      %swap3A_55 = tpu.vector_load %arg13[%swap3A_53, %swap3A_54] {strides = array<i32>} : memref<320x128xf32, #tpu.memory_space<vmem>>, vector<1x16xf32>,
      %swap3A_56 = vector.shape_cast %swap3A_55 : vector<1x16xf32> to vector<16xf32>
      %swap3A_57 = vector.shape_cast %broadcast_in_dim3A_10 : vector<16xf32> to vector<1x16xf32>
      tpu.vector_store %arg13[%swap3A_53, %swap3A_54], %swap3A_57 {strides = array<i32>} : memref<320x128xf32, #tpu.memory_space<vmem>>, vector<1x16xf32>,
      %swap3A_58 = arith.index_cast %add3A_33 : i32 to index
      %swap3A_59 = arith.constant 80 : index
      %swap3A_60 = tpu.vector_load %arg13[%swap3A_58, %swap3A_59] {strides = array<i32>} : memref<320x128xf32, #tpu.memory_space<vmem>>, vector<1x16xf32>,
      %swap3A_61 = vector.shape_cast %swap3A_60 : vector<1x16xf32> to vector<16xf32>
      %swap3A_62 = vector.shape_cast %broadcast_in_dim3A_10 : vector<16xf32> to vector<1x16xf32>
      tpu.vector_store %arg13[%swap3A_58, %swap3A_59], %swap3A_62 {strides = array<i32>} : memref<320x128xf32, #tpu.memory_space<vmem>>, vector<1x16xf32>,
      %swap3A_63 = arith.index_cast %add3A_33 : i32 to index
      %swap3A_64 = arith.constant 96 : index
      %swap3A_65 = tpu.vector_load %arg13[%swap3A_63, %swap3A_64] {strides = array<i32>} : memref<320x128xf32, #tpu.memory_space<vmem>>, vector<1x16xf32>,
      %swap3A_66 = vector.shape_cast %swap3A_65 : vector<1x16xf32> to vector<16xf32>
      %swap3A_67 = vector.shape_cast %broadcast_in_dim3A_10 : vector<16xf32> to vector<1x16xf32>
      tpu.vector_store %arg13[%swap3A_63, %swap3A_64], %swap3A_67 {strides = array<i32>} : memref<320x128xf32, #tpu.memory_space<vmem>>, vector<1x16xf32>,
      %swap3A_68 = arith.index_cast %add3A_33 : i32 to index
      %swap3A_69 = arith.constant 112 : index
      %swap3A_70 = tpu.vector_load %arg13[%swap3A_68, %swap3A_69] {strides = array<i32>} : memref<320x128xf32, #tpu.memory_space<vmem>>, vector<1x16xf32>,
      %swap3A_71 = vector.shape_cast %swap3A_70 : vector<1x16xf32> to vector<16xf32>
      %swap3A_72 = vector.shape_cast %broadcast_in_dim3A_10 : vector<16xf32> to vector<1x16xf32>
      tpu.vector_store %arg13[%swap3A_68, %swap3A_69], %swap3A_72 {strides = array<i32>} : memref<320x128xf32, #tpu.memory_space<vmem>>, vector<1x16xf32>,
    }
    %scan3A_15 = arith.constant 320 : i32
    %dma_start3A = arith.constant 0 : i32
    %dma_start3A_16 = arith.constant 0 : i32
    %dma_start3A_17 = tpu.memref_slice %arg10[%dma_start3A, %dma_start3A_16] : memref<68x128xi32, #tpu.memory_space<vmem>> -> memref<1x128xi32, #tpu.memory_space<vmem>>
    %dma_start3A_18 = tpu.memref_squeeze %dma_start3A_17 : memref<1x128xi32, #tpu.memory_space<vmem>> -> memref<128xi32, #tpu.memory_space<vmem>>
    %dma_start3A_19 = arith.constant 0 : i32
    %dma_start3A_20 = arith.constant 0 : i32
    %dma_start3A_21 = tpu.memref_slice %arg5[%dma_start3A_19, %dma_start3A_20] : memref<276480x128xf32, #tpu.memory_space<hbm>> -> memref<276480x128xf32, #tpu.memory_space<hbm>>
    tpu.enqueue_indirect_dma source(%dma_start3A_21 : memref<276480x128xf32, #tpu.memory_space<hbm>>) target(%arg11 : memref<128x128xf32, #tpu.memory_space<vmem>>) offsets(%dma_start3A_18 : memref<128xi32, #tpu.memory_space<vmem>>) semaphore(%arg15 : memref<!tpu.dma_semaphore, #tpu.memory_space<semaphore_mem>>)
    %scan3A_22 = arith.constant 0 : i32
    %scan3A_23 = arith.constant 34 : i32
    %scan3A_24 = arith.addi %scan3A_22, %scan3A_23 : i32
    %scan3A_25 = arith.constant 1 : i32
    scf.for %scan3A_29 = %scan3A_22 to %scan3A_24 step %scan3A_25  : i32 {
      %mul3A_30 = arith.constant 2 : i32
      %mul3A_31 = arith.muli %scan3A_29, %mul3A_30 : i32
      %add3A_32 = arith.constant 0 : i32
      %add3A_33 = arith.addi %add3A_32, %mul3A_31 : i32
      %add3A_34 = arith.constant 1 : i32
      %add3A_35 = arith.addi %add3A_33, %add3A_34 : i32
      %dma_start3A_36 = arith.constant 0 : i32
      %dma_start3A_37 = tpu.memref_slice %arg10[%add3A_35, %dma_start3A_36] : memref<68x128xi32, #tpu.memory_space<vmem>> -> memref<1x128xi32, #tpu.memory_space<vmem>>
      %dma_start3A_38 = tpu.memref_squeeze %dma_start3A_37 : memref<1x128xi32, #tpu.memory_space<vmem>> -> memref<128xi32, #tpu.memory_space<vmem>>
      %dma_start3A_39 = arith.constant 0 : i32
      %dma_start3A_40 = arith.constant 0 : i32
      %dma_start3A_41 = tpu.memref_slice %arg5[%dma_start3A_39, %dma_start3A_40] : memref<276480x128xf32, #tpu.memory_space<hbm>> -> memref<276480x128xf32, #tpu.memory_space<hbm>>
      tpu.enqueue_indirect_dma source(%dma_start3A_41 : memref<276480x128xf32, #tpu.memory_space<hbm>>) target(%arg12 : memref<128x128xf32, #tpu.memory_space<vmem>>) offsets(%dma_start3A_38 : memref<128xi32, #tpu.memory_space<vmem>>) semaphore(%arg16 : memref<!tpu.dma_semaphore, #tpu.memory_space<semaphore_mem>>)
      %dma_wait3A = arith.constant 0 : i32
      %dma_wait3A_42 = arith.constant 0 : i32
      %dma_wait3A_43 = tpu.memref_slice %arg10[%dma_wait3A, %dma_wait3A_42] : memref<68x128xi32, #tpu.memory_space<vmem>> -> memref<1x128xi32, #tpu.memory_space<vmem>>
      %dma_wait3A_44 = tpu.memref_squeeze %dma_wait3A_43 : memref<1x128xi32, #tpu.memory_space<vmem>> -> memref<128xi32, #tpu.memory_space<vmem>>
      %dma_wait3A_45 = arith.constant 0 : i32
      %dma_wait3A_46 = arith.constant 0 : i32
      %dma_wait3A_47 = tpu.memref_slice %arg5[%dma_wait3A_45, %dma_wait3A_46] : memref<276480x128xf32, #tpu.memory_space<hbm>> -> memref<276480x128xf32, #tpu.memory_space<hbm>>
      tpu.wait_indirect_dma semaphore(%arg15 : memref<!tpu.dma_semaphore, #tpu.memory_space<semaphore_mem>>) src(%dma_wait3A_47 : memref<276480x128xf32, #tpu.memory_space<hbm>>) dst(%arg11 : memref<128x128xf32, #tpu.memory_space<vmem>>)
      %scan3A_48 = arith.constant 0 : i32
      %scan3A_49 = arith.constant 128 : i32
      %scan3A_50 = arith.addi %scan3A_48, %scan3A_49 : i32
      %scan3A_51 = arith.constant 1 : i32
      scf.for %scan3A_71 = %scan3A_48 to %scan3A_50 step %scan3A_51  : i32 {
        %mul3A_72 = arith.constant 1 : i32
        %mul3A_73 = arith.muli %scan3A_71, %mul3A_72 : i32
        %add3A_74 = arith.constant 0 : i32
        %add3A_75 = arith.addi %add3A_74, %mul3A_73 : i32
        %mul3A_76 = arith.constant 128 : i32
        %mul3A_77 = arith.muli %add3A_33, %mul3A_76 : i32
        %add3A_78 = arith.addi %mul3A_77, %add3A_75 : i32
        %jit3A = arith.constant 320 : i32
        %div3A = arith.divsi %add3A_78, %jit3A : i32
        %sign3A = arith.constant 0 : i32
        %sign3A_79 = arith.cmpi sgt, %add3A_78, %sign3A : i32
        %sign3A_80 = arith.extui %sign3A_79 : i1 to i32
        %sign3A_81 = arith.constant 0 : i32
        %sign3A_82 = arith.cmpi slt, %add3A_78, %sign3A_81 : i32
        %sign3A_83 = arith.extui %sign3A_82 : i1 to i32
        %sign3A_84 = arith.subi %sign3A_80, %sign3A_83 : i32
        %sign3A_85 = arith.constant 0 : i32
        %sign3A_86 = arith.cmpi sgt, %jit3A, %sign3A_85 : i32
        %sign3A_87 = arith.extui %sign3A_86 : i1 to i32
        %sign3A_88 = arith.constant 0 : i32
        %sign3A_89 = arith.cmpi slt, %jit3A, %sign3A_88 : i32
        %sign3A_90 = arith.extui %sign3A_89 : i1 to i32
        %sign3A_91 = arith.subi %sign3A_87, %sign3A_90 : i32
        %ne3A = arith.cmpi ne, %sign3A_84, %sign3A_91 : i32
        %rem3A = arith.remsi %add3A_78, %jit3A : i32
        %ne3A_92 = arith.constant 0 : i32
        %ne3A_93 = arith.cmpi ne, %rem3A, %ne3A_92 : i32
        %and3A = arith.andi %ne3A, %ne3A_93 : i1
        %sub3A = arith.constant 1 : i32
        %sub3A_94 = arith.subi %div3A, %sub3A : i32
        %select_n3A = arith.select %and3A, %sub3A_94, %div3A : i32
        %mul3A_95 = arith.constant 320 : i32
        %mul3A_96 = arith.muli %select_n3A, %mul3A_95 : i32
        %sub3A_97 = arith.subi %add3A_78, %mul3A_96 : i32
        %get3A = arith.index_cast %add3A_75 : i32 to index
        %get3A_98 = arith.constant 0 : index
        %get3A_99 = tpu.vector_load %arg11[%get3A, %get3A_98] {strides = array<i32>} : memref<128x128xf32, #tpu.memory_space<vmem>>, vector<1x16xf32>,
        %get3A_100 = vector.shape_cast %get3A_99 : vector<1x16xf32> to vector<16xf32>
        %swap3A = arith.index_cast %sub3A_97 : i32 to index
        %swap3A_101 = arith.constant 0 : index
        %swap3A_102 = tpu.vector_load %arg13[%swap3A, %swap3A_101] {strides = array<i32>} : memref<320x128xf32, #tpu.memory_space<vmem>>, vector<1x16xf32>,
        %swap3A_103 = vector.shape_cast %swap3A_102 : vector<1x16xf32> to vector<16xf32>
        %swap3A_104 = vector.shape_cast %get3A_100 : vector<16xf32> to vector<1x16xf32>
        tpu.vector_store %arg13[%swap3A, %swap3A_101], %swap3A_104 {add = true, strides = array<i32>} : memref<320x128xf32, #tpu.memory_space<vmem>>, vector<1x16xf32>,
        %get3A_105 = arith.index_cast %add3A_75 : i32 to index
        %get3A_106 = arith.constant 16 : index
        %get3A_107 = tpu.vector_load %arg11[%get3A_105, %get3A_106] {strides = array<i32>} : memref<128x128xf32, #tpu.memory_space<vmem>>, vector<1x16xf32>,
        %get3A_108 = vector.shape_cast %get3A_107 : vector<1x16xf32> to vector<16xf32>
        %swap3A_109 = arith.index_cast %sub3A_97 : i32 to index
        %swap3A_110 = arith.constant 16 : index
        %swap3A_111 = tpu.vector_load %arg13[%swap3A_109, %swap3A_110] {strides = array<i32>} : memref<320x128xf32, #tpu.memory_space<vmem>>, vector<1x16xf32>,
        %swap3A_112 = vector.shape_cast %swap3A_111 : vector<1x16xf32> to vector<16xf32>
        %swap3A_113 = vector.shape_cast %get3A_108 : vector<16xf32> to vector<1x16xf32>
        tpu.vector_store %arg13[%swap3A_109, %swap3A_110], %swap3A_113 {add = true, strides = array<i32>} : memref<320x128xf32, #tpu.memory_space<vmem>>, vector<1x16xf32>,
        %get3A_114 = arith.index_cast %add3A_75 : i32 to index
        %get3A_115 = arith.constant 32 : index
        %get3A_116 = tpu.vector_load %arg11[%get3A_114, %get3A_115] {strides = array<i32>} : memref<128x128xf32, #tpu.memory_space<vmem>>, vector<1x16xf32>,
        %get3A_117 = vector.shape_cast %get3A_116 : vector<1x16xf32> to vector<16xf32>
        %swap3A_118 = arith.index_cast %sub3A_97 : i32 to index
        %swap3A_119 = arith.constant 32 : index
        %swap3A_120 = tpu.vector_load %arg13[%swap3A_118, %swap3A_119] {strides = array<i32>} : memref<320x128xf32, #tpu.memory_space<vmem>>, vector<1x16xf32>,
        %swap3A_121 = vector.shape_cast %swap3A_120 : vector<1x16xf32> to vector<16xf32>
        %swap3A_122 = vector.shape_cast %get3A_117 : vector<16xf32> to vector<1x16xf32>
        tpu.vector_store %arg13[%swap3A_118, %swap3A_119], %swap3A_122 {add = true, strides = array<i32>} : memref<320x128xf32, #tpu.memory_space<vmem>>, vector<1x16xf32>,
        %get3A_123 = arith.index_cast %add3A_75 : i32 to index
        %get3A_124 = arith.constant 48 : index
        %get3A_125 = tpu.vector_load %arg11[%get3A_123, %get3A_124] {strides = array<i32>} : memref<128x128xf32, #tpu.memory_space<vmem>>, vector<1x16xf32>,
        %get3A_126 = vector.shape_cast %get3A_125 : vector<1x16xf32> to vector<16xf32>
        %swap3A_127 = arith.index_cast %sub3A_97 : i32 to index
        %swap3A_128 = arith.constant 48 : index
        %swap3A_129 = tpu.vector_load %arg13[%swap3A_127, %swap3A_128] {strides = array<i32>} : memref<320x128xf32, #tpu.memory_space<vmem>>, vector<1x16xf32>,
        %swap3A_130 = vector.shape_cast %swap3A_129 : vector<1x16xf32> to vector<16xf32>
        %swap3A_131 = vector.shape_cast %get3A_126 : vector<16xf32> to vector<1x16xf32>
        tpu.vector_store %arg13[%swap3A_127, %swap3A_128], %swap3A_131 {add = true, strides = array<i32>} : memref<320x128xf32, #tpu.memory_space<vmem>>, vector<1x16xf32>,
        %get3A_132 = arith.index_cast %add3A_75 : i32 to index
        %get3A_133 = arith.constant 64 : index
        %get3A_134 = tpu.vector_load %arg11[%get3A_132, %get3A_133] {strides = array<i32>} : memref<128x128xf32, #tpu.memory_space<vmem>>, vector<1x16xf32>,
        %get3A_135 = vector.shape_cast %get3A_134 : vector<1x16xf32> to vector<16xf32>
        %swap3A_136 = arith.index_cast %sub3A_97 : i32 to index
        %swap3A_137 = arith.constant 64 : index
        %swap3A_138 = tpu.vector_load %arg13[%swap3A_136, %swap3A_137] {strides = array<i32>} : memref<320x128xf32, #tpu.memory_space<vmem>>, vector<1x16xf32>,
        %swap3A_139 = vector.shape_cast %swap3A_138 : vector<1x16xf32> to vector<16xf32>
        %swap3A_140 = vector.shape_cast %get3A_135 : vector<16xf32> to vector<1x16xf32>
        tpu.vector_store %arg13[%swap3A_136, %swap3A_137], %swap3A_140 {add = true, strides = array<i32>} : memref<320x128xf32, #tpu.memory_space<vmem>>, vector<1x16xf32>,
        %get3A_141 = arith.index_cast %add3A_75 : i32 to index
        %get3A_142 = arith.constant 80 : index
        %get3A_143 = tpu.vector_load %arg11[%get3A_141, %get3A_142] {strides = array<i32>} : memref<128x128xf32, #tpu.memory_space<vmem>>, vector<1x16xf32>,
        %get3A_144 = vector.shape_cast %get3A_143 : vector<1x16xf32> to vector<16xf32>
        %swap3A_145 = arith.index_cast %sub3A_97 : i32 to index
        %swap3A_146 = arith.constant 80 : index
        %swap3A_147 = tpu.vector_load %arg13[%swap3A_145, %swap3A_146] {strides = array<i32>} : memref<320x128xf32, #tpu.memory_space<vmem>>, vector<1x16xf32>,
        %swap3A_148 = vector.shape_cast %swap3A_147 : vector<1x16xf32> to vector<16xf32>
        %swap3A_149 = vector.shape_cast %get3A_144 : vector<16xf32> to vector<1x16xf32>
        tpu.vector_store %arg13[%swap3A_145, %swap3A_146], %swap3A_149 {add = true, strides = array<i32>} : memref<320x128xf32, #tpu.memory_space<vmem>>, vector<1x16xf32>,
        %get3A_150 = arith.index_cast %add3A_75 : i32 to index
        %get3A_151 = arith.constant 96 : index
        %get3A_152 = tpu.vector_load %arg11[%get3A_150, %get3A_151] {strides = array<i32>} : memref<128x128xf32, #tpu.memory_space<vmem>>, vector<1x16xf32>,
        %get3A_153 = vector.shape_cast %get3A_152 : vector<1x16xf32> to vector<16xf32>
        %swap3A_154 = arith.index_cast %sub3A_97 : i32 to index
        %swap3A_155 = arith.constant 96 : index
        %swap3A_156 = tpu.vector_load %arg13[%swap3A_154, %swap3A_155] {strides = array<i32>} : memref<320x128xf32, #tpu.memory_space<vmem>>, vector<1x16xf32>,
        %swap3A_157 = vector.shape_cast %swap3A_156 : vector<1x16xf32> to vector<16xf32>
        %swap3A_158 = vector.shape_cast %get3A_153 : vector<16xf32> to vector<1x16xf32>
        tpu.vector_store %arg13[%swap3A_154, %swap3A_155], %swap3A_158 {add = true, strides = array<i32>} : memref<320x128xf32, #tpu.memory_space<vmem>>, vector<1x16xf32>,
        %get3A_159 = arith.index_cast %add3A_75 : i32 to index
        %get3A_160 = arith.constant 112 : index
        %get3A_161 = tpu.vector_load %arg11[%get3A_159, %get3A_160] {strides = array<i32>} : memref<128x128xf32, #tpu.memory_space<vmem>>, vector<1x16xf32>,
        %get3A_162 = vector.shape_cast %get3A_161 : vector<1x16xf32> to vector<16xf32>
        %swap3A_163 = arith.index_cast %sub3A_97 : i32 to index
        %swap3A_164 = arith.constant 112 : index
        %swap3A_165 = tpu.vector_load %arg13[%swap3A_163, %swap3A_164] {strides = array<i32>} : memref<320x128xf32, #tpu.memory_space<vmem>>, vector<1x16xf32>,
        %swap3A_166 = vector.shape_cast %swap3A_165 : vector<1x16xf32> to vector<16xf32>
        %swap3A_167 = vector.shape_cast %get3A_162 : vector<16xf32> to vector<1x16xf32>
        tpu.vector_store %arg13[%swap3A_163, %swap3A_164], %swap3A_167 {add = true, strides = array<i32>} : memref<320x128xf32, #tpu.memory_space<vmem>>, vector<1x16xf32>,
      }
      %scan3A_52 = arith.constant 128 : i32
      %add3A_53 = arith.constant 2 : i32
      %add3A_54 = arith.addi %add3A_33, %add3A_53 : i32
      %lt3A = arith.constant 68 : i32
      %lt3A_55 = arith.cmpi slt, %add3A_54, %lt3A : i32
      %convert_element_type3A = arith.extui %lt3A_55 : i1 to i32
      %cond3A = arith.constant 0 : i32
      %cond3A_56 = arith.cmpi ne, %convert_element_type3A, %cond3A : i32
      scf.if %cond3A_56 {
        %add3A_71 = arith.constant 2 : i32
        %add3A_72 = arith.addi %add3A_33, %add3A_71 : i32
        %dma_start3A_73 = arith.constant 0 : i32
        %dma_start3A_74 = tpu.memref_slice %arg10[%add3A_72, %dma_start3A_73] : memref<68x128xi32, #tpu.memory_space<vmem>> -> memref<1x128xi32, #tpu.memory_space<vmem>>
        %dma_start3A_75 = tpu.memref_squeeze %dma_start3A_74 : memref<1x128xi32, #tpu.memory_space<vmem>> -> memref<128xi32, #tpu.memory_space<vmem>>
        %dma_start3A_76 = arith.constant 0 : i32
        %dma_start3A_77 = arith.constant 0 : i32
        %dma_start3A_78 = tpu.memref_slice %arg5[%dma_start3A_76, %dma_start3A_77] : memref<276480x128xf32, #tpu.memory_space<hbm>> -> memref<276480x128xf32, #tpu.memory_space<hbm>>
        tpu.enqueue_indirect_dma source(%dma_start3A_78 : memref<276480x128xf32, #tpu.memory_space<hbm>>) target(%arg11 : memref<128x128xf32, #tpu.memory_space<vmem>>) offsets(%dma_start3A_75 : memref<128xi32, #tpu.memory_space<vmem>>) semaphore(%arg15 : memref<!tpu.dma_semaphore, #tpu.memory_space<semaphore_mem>>)
      } else {
      }
      %dma_wait3A_57 = arith.constant 0 : i32
      %dma_wait3A_58 = arith.constant 0 : i32
      %dma_wait3A_59 = tpu.memref_slice %arg10[%dma_wait3A_57, %dma_wait3A_58] : memref<68x128xi32, #tpu.memory_space<vmem>> -> memref<1x128xi32, #tpu.memory_space<vmem>>
      %dma_wait3A_60 = tpu.memref_squeeze %dma_wait3A_59 : memref<1x128xi32, #tpu.memory_space<vmem>> -> memref<128xi32, #tpu.memory_space<vmem>>
      %dma_wait3A_61 = arith.constant 0 : i32
      %dma_wait3A_62 = arith.constant 0 : i32
      %dma_wait3A_63 = tpu.memref_slice %arg5[%dma_wait3A_61, %dma_wait3A_62] : memref<276480x128xf32, #tpu.memory_space<hbm>> -> memref<276480x128xf32, #tpu.memory_space<hbm>>
      tpu.wait_indirect_dma semaphore(%arg16 : memref<!tpu.dma_semaphore, #tpu.memory_space<semaphore_mem>>) src(%dma_wait3A_63 : memref<276480x128xf32, #tpu.memory_space<hbm>>) dst(%arg12 : memref<128x128xf32, #tpu.memory_space<vmem>>)
      %add3A_64 = arith.constant 1 : i32
      %add3A_65 = arith.addi %add3A_33, %add3A_64 : i32
      %scan3A_66 = arith.constant 0 : i32
      %scan3A_67 = arith.constant 128 : i32
      %scan3A_68 = arith.addi %scan3A_66, %scan3A_67 : i32
      %scan3A_69 = arith.constant 1 : i32
      scf.for %scan3A_71 = %scan3A_66 to %scan3A_68 step %scan3A_69  : i32 {
        %mul3A_72 = arith.constant 1 : i32
        %mul3A_73 = arith.muli %scan3A_71, %mul3A_72 : i32
        %add3A_74 = arith.constant 0 : i32
        %add3A_75 = arith.addi %add3A_74, %mul3A_73 : i32
        %mul3A_76 = arith.constant 128 : i32
        %mul3A_77 = arith.muli %add3A_65, %mul3A_76 : i32
        %add3A_78 = arith.addi %mul3A_77, %add3A_75 : i32
        %jit3A = arith.constant 320 : i32
        %div3A = arith.divsi %add3A_78, %jit3A : i32
        %sign3A = arith.constant 0 : i32
        %sign3A_79 = arith.cmpi sgt, %add3A_78, %sign3A : i32
        %sign3A_80 = arith.extui %sign3A_79 : i1 to i32
        %sign3A_81 = arith.constant 0 : i32
        %sign3A_82 = arith.cmpi slt, %add3A_78, %sign3A_81 : i32
        %sign3A_83 = arith.extui %sign3A_82 : i1 to i32
        %sign3A_84 = arith.subi %sign3A_80, %sign3A_83 : i32
        %sign3A_85 = arith.constant 0 : i32
        %sign3A_86 = arith.cmpi sgt, %jit3A, %sign3A_85 : i32
        %sign3A_87 = arith.extui %sign3A_86 : i1 to i32
        %sign3A_88 = arith.constant 0 : i32
        %sign3A_89 = arith.cmpi slt, %jit3A, %sign3A_88 : i32
        %sign3A_90 = arith.extui %sign3A_89 : i1 to i32
        %sign3A_91 = arith.subi %sign3A_87, %sign3A_90 : i32
        %ne3A = arith.cmpi ne, %sign3A_84, %sign3A_91 : i32
        %rem3A = arith.remsi %add3A_78, %jit3A : i32
        %ne3A_92 = arith.constant 0 : i32
        %ne3A_93 = arith.cmpi ne, %rem3A, %ne3A_92 : i32
        %and3A = arith.andi %ne3A, %ne3A_93 : i1
        %sub3A = arith.constant 1 : i32
        %sub3A_94 = arith.subi %div3A, %sub3A : i32
        %select_n3A = arith.select %and3A, %sub3A_94, %div3A : i32
        %mul3A_95 = arith.constant 320 : i32
        %mul3A_96 = arith.muli %select_n3A, %mul3A_95 : i32
        %sub3A_97 = arith.subi %add3A_78, %mul3A_96 : i32
        %get3A = arith.index_cast %add3A_75 : i32 to index
        %get3A_98 = arith.constant 0 : index
        %get3A_99 = tpu.vector_load %arg12[%get3A, %get3A_98] {strides = array<i32>} : memref<128x128xf32, #tpu.memory_space<vmem>>, vector<1x16xf32>,
        %get3A_100 = vector.shape_cast %get3A_99 : vector<1x16xf32> to vector<16xf32>
        %swap3A = arith.index_cast %sub3A_97 : i32 to index
        %swap3A_101 = arith.constant 0 : index
        %swap3A_102 = tpu.vector_load %arg13[%swap3A, %swap3A_101] {strides = array<i32>} : memref<320x128xf32, #tpu.memory_space<vmem>>, vector<1x16xf32>,
        %swap3A_103 = vector.shape_cast %swap3A_102 : vector<1x16xf32> to vector<16xf32>
        %swap3A_104 = vector.shape_cast %get3A_100 : vector<16xf32> to vector<1x16xf32>
        tpu.vector_store %arg13[%swap3A, %swap3A_101], %swap3A_104 {add = true, strides = array<i32>} : memref<320x128xf32, #tpu.memory_space<vmem>>, vector<1x16xf32>,
        %get3A_105 = arith.index_cast %add3A_75 : i32 to index
        %get3A_106 = arith.constant 16 : index
        %get3A_107 = tpu.vector_load %arg12[%get3A_105, %get3A_106] {strides = array<i32>} : memref<128x128xf32, #tpu.memory_space<vmem>>, vector<1x16xf32>,
        %get3A_108 = vector.shape_cast %get3A_107 : vector<1x16xf32> to vector<16xf32>
        %swap3A_109 = arith.index_cast %sub3A_97 : i32 to index
        %swap3A_110 = arith.constant 16 : index
        %swap3A_111 = tpu.vector_load %arg13[%swap3A_109, %swap3A_110] {strides = array<i32>} : memref<320x128xf32, #tpu.memory_space<vmem>>, vector<1x16xf32>,
        %swap3A_112 = vector.shape_cast %swap3A_111 : vector<1x16xf32> to vector<16xf32>
        %swap3A_113 = vector.shape_cast %get3A_108 : vector<16xf32> to vector<1x16xf32>
        tpu.vector_store %arg13[%swap3A_109, %swap3A_110], %swap3A_113 {add = true, strides = array<i32>} : memref<320x128xf32, #tpu.memory_space<vmem>>, vector<1x16xf32>,
        %get3A_114 = arith.index_cast %add3A_75 : i32 to index
        %get3A_115 = arith.constant 32 : index
        %get3A_116 = tpu.vector_load %arg12[%get3A_114, %get3A_115] {strides = array<i32>} : memref<128x128xf32, #tpu.memory_space<vmem>>, vector<1x16xf32>,
        %get3A_117 = vector.shape_cast %get3A_116 : vector<1x16xf32> to vector<16xf32>
        %swap3A_118 = arith.index_cast %sub3A_97 : i32 to index
        %swap3A_119 = arith.constant 32 : index
        %swap3A_120 = tpu.vector_load %arg13[%swap3A_118, %swap3A_119] {strides = array<i32>} : memref<320x128xf32, #tpu.memory_space<vmem>>, vector<1x16xf32>,
        %swap3A_121 = vector.shape_cast %swap3A_120 : vector<1x16xf32> to vector<16xf32>
        %swap3A_122 = vector.shape_cast %get3A_117 : vector<16xf32> to vector<1x16xf32>
        tpu.vector_store %arg13[%swap3A_118, %swap3A_119], %swap3A_122 {add = true, strides = array<i32>} : memref<320x128xf32, #tpu.memory_space<vmem>>, vector<1x16xf32>,
        %get3A_123 = arith.index_cast %add3A_75 : i32 to index
        %get3A_124 = arith.constant 48 : index
        %get3A_125 = tpu.vector_load %arg12[%get3A_123, %get3A_124] {strides = array<i32>} : memref<128x128xf32, #tpu.memory_space<vmem>>, vector<1x16xf32>,
        %get3A_126 = vector.shape_cast %get3A_125 : vector<1x16xf32> to vector<16xf32>
        %swap3A_127 = arith.index_cast %sub3A_97 : i32 to index
        %swap3A_128 = arith.constant 48 : index
        %swap3A_129 = tpu.vector_load %arg13[%swap3A_127, %swap3A_128] {strides = array<i32>} : memref<320x128xf32, #tpu.memory_space<vmem>>, vector<1x16xf32>,
        %swap3A_130 = vector.shape_cast %swap3A_129 : vector<1x16xf32> to vector<16xf32>
        %swap3A_131 = vector.shape_cast %get3A_126 : vector<16xf32> to vector<1x16xf32>
        tpu.vector_store %arg13[%swap3A_127, %swap3A_128], %swap3A_131 {add = true, strides = array<i32>} : memref<320x128xf32, #tpu.memory_space<vmem>>, vector<1x16xf32>,
        %get3A_132 = arith.index_cast %add3A_75 : i32 to index
        %get3A_133 = arith.constant 64 : index
        %get3A_134 = tpu.vector_load %arg12[%get3A_132, %get3A_133] {strides = array<i32>} : memref<128x128xf32, #tpu.memory_space<vmem>>, vector<1x16xf32>,
        %get3A_135 = vector.shape_cast %get3A_134 : vector<1x16xf32> to vector<16xf32>
        %swap3A_136 = arith.index_cast %sub3A_97 : i32 to index
        %swap3A_137 = arith.constant 64 : index
        %swap3A_138 = tpu.vector_load %arg13[%swap3A_136, %swap3A_137] {strides = array<i32>} : memref<320x128xf32, #tpu.memory_space<vmem>>, vector<1x16xf32>,
        %swap3A_139 = vector.shape_cast %swap3A_138 : vector<1x16xf32> to vector<16xf32>
        %swap3A_140 = vector.shape_cast %get3A_135 : vector<16xf32> to vector<1x16xf32>
        tpu.vector_store %arg13[%swap3A_136, %swap3A_137], %swap3A_140 {add = true, strides = array<i32>} : memref<320x128xf32, #tpu.memory_space<vmem>>, vector<1x16xf32>,
        %get3A_141 = arith.index_cast %add3A_75 : i32 to index
        %get3A_142 = arith.constant 80 : index
        %get3A_143 = tpu.vector_load %arg12[%get3A_141, %get3A_142] {strides = array<i32>} : memref<128x128xf32, #tpu.memory_space<vmem>>, vector<1x16xf32>,
        %get3A_144 = vector.shape_cast %get3A_143 : vector<1x16xf32> to vector<16xf32>
        %swap3A_145 = arith.index_cast %sub3A_97 : i32 to index
        %swap3A_146 = arith.constant 80 : index
        %swap3A_147 = tpu.vector_load %arg13[%swap3A_145, %swap3A_146] {strides = array<i32>} : memref<320x128xf32, #tpu.memory_space<vmem>>, vector<1x16xf32>,
        %swap3A_148 = vector.shape_cast %swap3A_147 : vector<1x16xf32> to vector<16xf32>
        %swap3A_149 = vector.shape_cast %get3A_144 : vector<16xf32> to vector<1x16xf32>
        tpu.vector_store %arg13[%swap3A_145, %swap3A_146], %swap3A_149 {add = true, strides = array<i32>} : memref<320x128xf32, #tpu.memory_space<vmem>>, vector<1x16xf32>,
        %get3A_150 = arith.index_cast %add3A_75 : i32 to index
        %get3A_151 = arith.constant 96 : index
        %get3A_152 = tpu.vector_load %arg12[%get3A_150, %get3A_151] {strides = array<i32>} : memref<128x128xf32, #tpu.memory_space<vmem>>, vector<1x16xf32>,
        %get3A_153 = vector.shape_cast %get3A_152 : vector<1x16xf32> to vector<16xf32>
        %swap3A_154 = arith.index_cast %sub3A_97 : i32 to index
        %swap3A_155 = arith.constant 96 : index
        %swap3A_156 = tpu.vector_load %arg13[%swap3A_154, %swap3A_155] {strides = array<i32>} : memref<320x128xf32, #tpu.memory_space<vmem>>, vector<1x16xf32>,
        %swap3A_157 = vector.shape_cast %swap3A_156 : vector<1x16xf32> to vector<16xf32>
        %swap3A_158 = vector.shape_cast %get3A_153 : vector<16xf32> to vector<1x16xf32>
        tpu.vector_store %arg13[%swap3A_154, %swap3A_155], %swap3A_158 {add = true, strides = array<i32>} : memref<320x128xf32, #tpu.memory_space<vmem>>, vector<1x16xf32>,
        %get3A_159 = arith.index_cast %add3A_75 : i32 to index
        %get3A_160 = arith.constant 112 : index
        %get3A_161 = tpu.vector_load %arg12[%get3A_159, %get3A_160] {strides = array<i32>} : memref<128x128xf32, #tpu.memory_space<vmem>>, vector<1x16xf32>,
        %get3A_162 = vector.shape_cast %get3A_161 : vector<1x16xf32> to vector<16xf32>
        %swap3A_163 = arith.index_cast %sub3A_97 : i32 to index
        %swap3A_164 = arith.constant 112 : index
        %swap3A_165 = tpu.vector_load %arg13[%swap3A_163, %swap3A_164] {strides = array<i32>} : memref<320x128xf32, #tpu.memory_space<vmem>>, vector<1x16xf32>,
        %swap3A_166 = vector.shape_cast %swap3A_165 : vector<1x16xf32> to vector<16xf32>
        %swap3A_167 = vector.shape_cast %get3A_162 : vector<16xf32> to vector<1x16xf32>
        tpu.vector_store %arg13[%swap3A_163, %swap3A_164], %swap3A_167 {add = true, strides = array<i32>} : memref<320x128xf32, #tpu.memory_space<vmem>>, vector<1x16xf32>,
      }
      %scan3A_70 = arith.constant 128 : i32
    }
    %scan3A_26 = arith.constant 34 : i32
    %mul3A_27 = arith.constant 320 : i32
    %mul3A_28 = arith.muli %add3A, %mul3A_27 : i32
    "tpu.region"() ({
      %run_scoped3A = tpu.sem_alloc : memref<!tpu.dma_semaphore, #tpu.memory_space<semaphore_mem>>
      %dma_start3A_29 = arith.constant 0 : i32
      %dma_start3A_30 = tpu.memref_slice %arg6[%mul3A_28, %dma_start3A_29] : memref<10240x128xf32, #tpu.memory_space<hbm>> -> memref<320x128xf32, #tpu.memory_space<hbm>>
      %dma_start3A_31 = arith.constant 0 : i32
      %dma_start3A_32 = tpu.memref_slice %arg6[%mul3A_28, %dma_start3A_31] : memref<10240x128xf32, #tpu.memory_space<hbm>> -> memref<320x128xf32, #tpu.memory_space<hbm>>
      tpu.enqueue_dma source(%arg13 : memref<320x128xf32, #tpu.memory_space<vmem>>) target(%dma_start3A_32 : memref<320x128xf32, #tpu.memory_space<hbm>>) target_semaphore(%run_scoped3A : memref<!tpu.dma_semaphore, #tpu.memory_space<semaphore_mem>>)
      %dma_wait3A = arith.constant 0 : i32
      %dma_wait3A_33 = tpu.memref_slice %arg6[%mul3A_28, %dma_wait3A] : memref<10240x128xf32, #tpu.memory_space<hbm>> -> memref<320x128xf32, #tpu.memory_space<hbm>>
      %dma_wait3A_34 = arith.constant 0 : i32
      %dma_wait3A_35 = tpu.memref_slice %arg6[%mul3A_28, %dma_wait3A_34] : memref<10240x128xf32, #tpu.memory_space<hbm>> -> memref<320x128xf32, #tpu.memory_space<hbm>>
      tpu.wait_dma2 semaphore(%run_scoped3A : memref<!tpu.dma_semaphore, #tpu.memory_space<semaphore_mem>>) src(%arg13 : memref<320x128xf32, #tpu.memory_space<vmem>>) dst(%dma_wait3A_35 : memref<320x128xf32, #tpu.memory_space<hbm>>)
      tpu.yield
    }) : () -> ()
    return
  }
}

module attributes {stable_mosaic.version = 14 : i64} {
  func.func @_mm_body(%arg0: i32, %arg1: i32, %arg2: memref<512x128xf32, #tpu.memory_space<vmem>>, %arg3: memref<1x128x128xf32, #tpu.memory_space<vmem>>, %arg4: memref<1x128xf32, #tpu.memory_space<vmem>>, %arg5: memref<512x128xf32, #tpu.memory_space<vmem>>) attributes {dimension_semantics = [#tpu.dimension_semantics<arbitrary>, #tpu.dimension_semantics<arbitrary>], iteration_bounds = array<i64: 20, 27>, scalar_prefetch = 0 : i64, scratch_operands = 0 : i64, tpu.core_type = #tpu.core_type<tc>, window_params = [{transform_indices = @transform_0, window_bounds = array<i64: 512, 128>}, {transform_indices = @transform_1, window_bounds = array<i64: 1, 128, 128>}, {pipeline_mode = #tpu.pipeline_mode<synchronous>, transform_indices = @transform_2, window_bounds = array<i64: 1, 128>}, {transform_indices = @transform_3, window_bounds = array<i64: 512, 128>}]} {
    %get3A = arith.constant 0 : index
    %get3A_0 = arith.constant 0 : index
    %get3A_1 = vector.load %arg2[%get3A, %get3A_0] : memref<512x128xf32, #tpu.memory_space<vmem>>, vector<512x128xf32>
    %get3A_2 = arith.constant 0 : index
    %get3A_3 = arith.constant 0 : index
    %get3A_4 = arith.constant 0 : index
    %get3A_5 = vector.load %arg3[%get3A_2, %get3A_3, %get3A_4] : memref<1x128x128xf32, #tpu.memory_space<vmem>>, vector<1x128x128xf32>
    %get3A_6 = vector.shape_cast %get3A_5 : vector<1x128x128xf32> to vector<128x128xf32>
    %dot_general3A = arith.constant dense<0.000000e+00> : vector<512x128xf32>
    %dot_general3A_7 = tpu.matmul %get3A_1, %get3A_6, %dot_general3A {dimension_numbers = #tpu.dot_dimension_numbers<[1], [0], [0], [1], [0, 0, 1, 1], [], []>, transpose_lhs_hint = false} : vector<512x128xf32>, vector<128x128xf32>, vector<512x128xf32> -> vector<512x128xf32>
    %get3A_8 = arith.constant 0 : index
    %get3A_9 = arith.constant 0 : index
    %get3A_10 = vector.load %arg4[%get3A_8, %get3A_9] : memref<1x128xf32, #tpu.memory_space<vmem>>, vector<1x128xf32>
    %get3A_11 = vector.shape_cast %get3A_10 : vector<1x128xf32> to vector<128xf32>
    %eq3A = arith.constant 13 : i32
    %eq3A_12 = arith.cmpi eq, %arg1, %eq3A : i32
    %convert_element_type3A = arith.extui %eq3A_12 : i1 to i32
    %convert_element_type3A_13 = arith.sitofp %convert_element_type3A : i32 to f32
    %mul3A = vector.broadcast %convert_element_type3A_13 : f32 to vector<128xf32>
    %mul3A_14 = arith.mulf %get3A_11, %mul3A : vector<128xf32>
    %broadcast_in_dim3A = vector.shape_cast %mul3A_14 : vector<128xf32> to vector<1x128xf32>
    %add3A = vector.broadcast %broadcast_in_dim3A : vector<1x128xf32> to vector<512x128xf32>
    %add3A_15 = arith.addf %dot_general3A_7, %add3A : vector<512x128xf32>
    %swap3A = arith.constant 0 : index
    %swap3A_16 = arith.constant 0 : index
    %swap3A_17 = vector.load %arg5[%swap3A, %swap3A_16] : memref<512x128xf32, #tpu.memory_space<vmem>>, vector<512x128xf32>
    tpu.vector_store %arg5[%swap3A, %swap3A_16], %add3A_15 {strides = array<i32>} : memref<512x128xf32, #tpu.memory_space<vmem>>, vector<512x128xf32>,
    return
  }
  func.func @transform_0(%arg0: i32, %arg1: i32) -> (i32, i32) {
    %c0_i32 = arith.constant 0 : i32
    %c0_i32_0 = arith.constant 0 : i32
    return %arg0, %c0_i32 : i32, i32
  }
  func.func @transform_1(%arg0: i32, %arg1: i32) -> (i32, i32, i32) {
    %c0_i32 = arith.constant 0 : i32
    %c0_i32_0 = arith.constant 0 : i32
    %c0_i32_1 = arith.constant 0 : i32
    return %arg1, %c0_i32, %c0_i32_0 : i32, i32, i32
  }
  func.func @transform_2(%arg0: i32, %arg1: i32) -> (i32, i32) {
    %c0_i32 = arith.constant 0 : i32
    %c0_i32_0 = arith.constant 0 : i32
    %c0_i32_1 = arith.constant 0 : i32
    return %c0_i32, %c0_i32_0 : i32, i32
  }
  func.func @transform_3(%arg0: i32, %arg1: i32) -> (i32, i32) {
    %mul3A = arith.constant 20 : i32
    %mul3A_0 = arith.muli %arg1, %mul3A : i32
    %add3A = arith.addi %mul3A_0, %arg0 : i32
    %c0_i32 = arith.constant 0 : i32
    %c0_i32_1 = arith.constant 0 : i32
    return %add3A, %c0_i32 : i32, i32
  }
}

</mosaic_0001>

<sc_bundles>
// kernel: kernel.4.cloned.1.call-start
scs
__scs_entry_jumppad:
0x0: {  	(pc) =	sbr.rel $0x88, $3  }
0x1: {  	(tag) =	ssettag $0x0;
	lr =	simm.s32 $0x1  }
0x2: {  	[smem:$0x3F9D] =	sst lr;
	_ =	strace $0xD0000000  }
0x3: {  	_ = 	snop  }
0x4: {  	_ = 	snop  }
0x5: {  	_ = 	snop  }
0x6: {  	_ = 	snop  }
0x7: {  	_ = 	snop  }
__scs_overlays_trampoline_lowered:
0x8: {  	[smem:$0x3FAC] =	sst s0  }
0x9: {  	[smem:$0x3FAD] =	sst s1  }
0xa: {  	[smem:$0x3FAE] =	sst s2  }
0xb: {  	[smem:$0x3FAF] =	sst s3  }
0xc: {  	[smem:$0x3FB0] =	sst s4  }
0xd: {  	[smem:$0x3FB1] =	sst s5  }
0xe: {  	[smem:$0x3FB2] =	sst s6  }
0xf: {  	[smem:$0x3FB3] =	sst s7  }
0x10: {  	[smem:$0x3FB4] =	sst s8  }
0x11: {  	[smem:$0x3FB5] =	sst s9;
	s0 =	simm.s32 @!p0 $0x0  }
0x12: {  	s1 =	sld [smem:$0x3F9B];
	s0 =	simm.s32 @p0 $0x1  }
0x13: {  	[smem:$0x3FB6] =	sst s0;
	s0 =	simm.s32 @!p1 $0x0  }
0x14: {  	s2 =	sld [smem:$0x3F9A];
	s0 =	simm.s32 @p1 $0x1  }
0x15: {  	[smem:$0x3FB7] =	sst s0;
	s0 =	simm.s32 @!p2 $0x0  }
0x16: {  	s3 =	sld [smem:$0x3FDB];
	s0 =	simm.s32 @p2 $0x1  }
0x17: {  	s4 =	simm.s32 $0x1BF5;
	[smem:$0x3FB9] =	sst s0  }
0x18: {  	s0 =	sld [smem:$0x3F9C];
	_ =	swait.ge [sflag:s4], $0x0  }
0x19: {  	s7 =	sld [smem:$0x3F9D]  }
0x1a: {  	s8 =	sadd.s32 $0xFFFFE003, lr  }
0x1b: {  	s9 =	sadd.s32 $0xFFFFFEF7, lr;
	s5 =	simm.s32 $0xFFFFFFFF;
	p2 =	slt.u32 s8, $0xFFFFF086  }
0x1c: {  	p1 =	slt.u32 s9, $0xF7A;
	s5 =	simm.s32 @!p2 $0x0  }
0x1d: {  	s5 =	simm.s32 @p1 $0x1;
	p0 =	seq.s32 s7, s2  }
0x1e: {  	s7 =	smul.u32 @!p0 $0xF7A, s2;
	p2 =	seq.s32 @!p0 s5, $0x0  }
0x1f: {  	s9 =	smul.u32 $0xF7A, s1;
	s8 =	simm.s32 @!p0 $0x1BF5;
	p2 =	por !p2, p0  }
0x20: {  	[sflag:s8] =	ssyncset.s32 @!p0 $0xFFFFF086;
	s6 =	sadd.s32 @!p0 s3, s7;
	s7 =	simm.s32 @!p0 $0x108  }
0x21: {  	s3 =	sadd.s32 s3, s9;
	s6 =	sadd.s32 @!p0 $0x88, s6;
	s7 =	simm.s32 @p2 $0x1082  }
0x22: {  	[simem:s7], [sflag:s8] =	dma.local @!p0 [hbm:s6], $0xF7A  }
0x23: {  	s9 =	sor.u32 $0xD0000000, s2;
	s6 =	simm.s32 $0x108;
	_ =	swait.ge @!p0 [sflag:s8], $0x0  }
0x24: {  	s3 =	sadd.s32 $0x88, s3;
	s6 =	simm.s32 @!p1 $0x1082;
	[sflag:s4] =	ssyncset.s32 $0xFFFFF086  }
0x25: {  	[simem:s6], [sflag:s4] =	dma.local [hbm:s3], $0xF7A  }
0x26: {  	[smem:$0x3F9D] =	sst s1;
	(tag) =	ssettag s2;
	_ =	strace s9  }
0x27: {  	s1 =	sld [smem:$0x3FAD]  }
0x28: {  	s2 =	sld [smem:$0x3FAE]  }
0x29: {  	s4 =	sld [smem:$0x3FB0]  }
0x2a: {  	p0 =	seq.s32 s5, $0x0;
	s5 =	sld [smem:$0x3FB1]  }
0x2b: {  	s6 =	sld [smem:$0x3FB2]  }
0x2c: {  	s7 =	sld [smem:$0x3FB3]  }
0x2d: {  	s3 =	simm.s32 $0x108;
	s8 =	sld [smem:$0x3FB4]  }
0x2e: {  	s3 =	simm.s32 @!p0 $0x1082;
	s9 =	sld [smem:$0x3FB5]  }
0x2f: {  	lr =	sadd.s32 s0, s3;
	s0 =	sld [smem:$0x3FAC]  }
0x30: {  	s3 =	sld [smem:$0x3FAF]  }
0x31: {  	[smem:$0x3FB8] =	sst s10  }
0x32: {  	s10 =	sld [smem:$0x3FB6];
	_ =	sdelay $0x3  }
0x33: {  	p0 =	seq.s32 s10, $0x1;
	s10 =	sld [smem:$0x3FB8];
	_ =	sdelay $0x3  }
0x34: {  	[smem:$0x3FB8] =	sst s10  }
0x35: {  	s10 =	sld [smem:$0x3FB7];
	_ =	sdelay $0x3  }
0x36: {  	p1 =	seq.s32 s10, $0x1;
	s10 =	sld [smem:$0x3FB8];
	_ =	sdelay $0x3  }
0x37: {  	[smem:$0x3FB8] =	sst s10  }
0x38: {  	s10 =	sld [smem:$0x3FB9]  }
0x39: {  	_ = 	snop;
	(pc) =	sbr.ind lr, $3  }
0x3a: {  	_ = 	snop  }
0x3b: {  	_ = 	snop  }
0x3c: {  	p2 =	seq.s32 s10, $0x1;
	s10 =	sld [smem:$0x3FB8]  }
0x3d: {  	_ =	shalt  }
0x3e: {  	_ =	shalt  }
0x3f: {  	_ =	shalt  }
0x40: {  	_ =	shalt  }
0x41: {  	_ =	shalt  }
0x42: {  	_ =	shalt  }
0x43: {  	_ =	shalt  }
0x44: {  	_ =	shalt  }
0x45: {  	_ =	shalt  }
0x46: {  	_ =	shalt  }
0x47: {  	_ =	shalt  }
0x48: {  	_ =	shalt  }
0x49: {  	_ =	shalt  }
0x4a: {  	_ =	shalt  }
0x4b: {  	_ =	shalt  }
0x4c: {  	_ =	shalt  }
0x4d: {  	_ =	shalt  }
0x4e: {  	_ =	shalt  }
0x4f: {  	_ =	shalt  }
0x50: {  	_ =	shalt  }
0x51: {  	_ =	shalt  }
0x52: {  	_ =	shalt  }
0x53: {  	_ =	shalt  }
0x54: {  	_ =	shalt  }
0x55: {  	_ =	shalt  }
0x56: {  	_ =	shalt  }
0x57: {  	_ =	shalt  }
0x58: {  	_ =	shalt  }
0x59: {  	_ =	shalt  }
0x5a: {  	_ =	shalt  }
0x5b: {  	_ =	shalt  }
0x5c: {  	_ =	shalt  }
0x5d: {  	_ =	shalt  }
0x5e: {  	_ =	shalt  }
0x5f: {  	_ =	shalt  }
0x60: {  	_ =	shalt  }
0x61: {  	_ =	shalt  }
0x62: {  	_ =	shalt  }
0x63: {  	_ =	shalt  }
0x64: {  	_ =	shalt  }
0x65: {  	_ =	shalt  }
0x66: {  	_ =	shalt  }
0x67: {  	_ =	shalt  }
0x68: {  	_ =	shalt  }
0x69: {  	_ =	shalt  }
0x6a: {  	_ =	shalt  }
0x6b: {  	_ =	shalt  }
0x6c: {  	_ =	shalt  }
0x6d: {  	_ =	shalt  }
0x6e: {  	_ =	shalt  }
0x6f: {  	_ =	shalt  }
0x70: {  	_ =	shalt  }
0x71: {  	_ =	shalt  }
0x72: {  	_ =	shalt  }
0x73: {  	_ =	shalt  }
0x74: {  	_ =	shalt  }
0x75: {  	_ =	shalt  }
0x76: {  	_ =	shalt  }
0x77: {  	_ =	shalt  }
0x78: {  	_ =	shalt  }
0x79: {  	_ =	shalt  }
0x7a: {  	_ =	shalt  }
0x7b: {  	_ =	shalt  }
0x7c: {  	_ =	shalt  }
0x7d: {  	_ =	shalt  }
0x7e: {  	_ =	shalt  }
0x7f: {  	_ =	shalt  }
0x80: {  	_ =	shalt  }
0x81: {  	_ =	shalt  }
0x82: {  	_ =	shalt  }
0x83: {  	_ =	shalt  }
0x84: {  	_ =	shalt  }
0x85: {  	_ =	shalt  }
0x86: {  	_ =	shalt  }
0x87: {  	_ =	shalt  }
.Lfunc_end0:
.L_simem_size_0:
called_computation_lowered:
.L_overlay_start_0:
0x88: {  	s2 =	sld [smem:$0x3FD9]  }
0x89: {  	s3 =	sld [smem:$0x3FFE];
	_ =	sdelay $0x1  }
0x8a: {  	s1 =	srdreg.scid  }
0x8b: {  	s0 =	sand.u32 $0x1, s1  }
0x8c: {  	s17 =	sshll.u32 s0, $0xA;
	s2 =	sadd.s32 s3, s2  }
0x8d: {  	s2 =	sadd.s32 s2, s17  }
0x8e: {  	[smem:$0x3FC4] =	sst s2  }
0x8f: {  	_ = 	snop  }
0x90: {  	s2 =	sld [smem:$0x3FD0];
	(tm) =	ssettm $0x1  }
0x91: {  	s18 =	sld [smem:$0x3FFB];
	_ =	sdelay $0x3  }
0x92: {  	_ =	strace s18  }
0x93: {  	s3 =	sld [smem:$0x3FFC];
	_ =	sdelay $0x3  }
0x94: {  	_ =	strace s3  }
0x95: {  	s3 =	sld [smem:$0x3FFD];
	_ =	sdelay $0x3  }
0x96: {  	_ =	strace s3  }
0x97: {  	_ =	strace $0x8FFFFFFF  }
0x98: {  	s19 =	sld [smem:$0x3FDB];
	_ =	sdelay $0x1  }
0x99: {  	s4 =	simm.s32 $_scs_section_size  }
0x9a: {  	s5 =	simm.s32 $_size__tile_overlayer_lowered;
	s6 =	simm.s32 $_tile_overlayer_lowered  }
0x9b: {  	s22 =	simm.s32 $0x1BFF;
	s21 =	sshll.u32 s6, $0x1;
	s3 =	sadd.s32 s4, s19  }
0x9c: {  	s7 =	simm.s32 $0x0;
	s20 =	sshll.u32 s5, $0x1;
	s5 =	sadd.s32 s21, s3  }
0x9d: {  	[timem:s7], [sflag:s22] =	dma.local [hbm:s5], s20  }
0x9e: {  	_ =	swait.ge [sflag:s22], s20  }
0x9f: {  	s4 =	ssub.s32 $0x0, s20;
	[sflag:s22] =	ssyncset.done $0x0  }
0xa0: {  	[sflag:s22] =	ssyncadd.s32 s4;
	_ =	sdelay $0x1  }
0xa1: {  	s23 =	simm.s32 $0x1B8B  }
0xa2: {  	_ =	swait.ge [sflag:s23], $0x1  }
0xa3: {  	[sflag:s23] =	ssyncset.done $0x0  }
0xa4: {  	s25 =	simm.s32 $0x1B8E;
	s24 =	sld [smem:$0x3FFE];
	[sflag:s23] =	ssyncadd.s32 $0xFFFFFFFF  }
0xa5: {  	s26 =	simm.s32 $execute0_lowered;
	[smem:$0x3FD2] =	sst s25  }
0xa6: {  	s5 =	sshll.u32 s26, $0x1;
	_ =	strace $0x80000046;
	[dreg:$0x1] =	wrdreg $0xFFFFFFFF  }
0xa7: {  	s28 =	simm.s32 $_size_execute0_lowered;
	s3 =	sadd.s32 s3, s5;
	[dreg:$0x0] =	wrdreg $0x0  }
0xa8: {  	s5 =	sshll.u32 s28, $0x1;
	[dreg:$0x2] =	wrdreg s3  }
0xa9: {  	[dreg:$0x3] =	wrdreg s5  }
0xaa: {  	[dreg:$0x4] =	wrdreg $0xC0  }
0xab: {  	_ =	task [dreg:s7], $0x5FFFF  }
0xac: {  	[dreg:$0x1] =	wrdreg $0xFFFFFFFF  }
0xad: {  	[dreg:$0x0] =	wrdreg $0x60  }
0xae: {  	[dreg:$0x2] =	wrdreg s24  }
0xaf: {  	[dreg:$0x3] =	wrdreg s2  }
0xb0: {  	[dreg:$0x4] =	wrdreg $0x9  }
0xb1: {  	_ =	task.clear_ibuf [dreg:s7], $0x5FFFF;
	_ =	strace $0x90000046  }
0xb2: {  	s29 =	simm.s32 $0x9;
	_ =	strace $0x80000048  }
0xb3: {  	_ =	swait.ge [sflag:s29], $0x1  }
0xb4: {  	[sflag:s29] =	ssyncadd.s32 $0xFFFFFFFF  }
0xb5: {  	_ =	strace $0x90000048  }
0xb6: {  	_ =	sfence  }
0xb7: {  	s30 =	sld [smem:$0x0];
	_ =	sdelay $0x2  }
0xb8: {  	s31 =	sshll.u32 s1, $0xD;
	s1 =	sshrl.u32 s1, $0x2  }
0xb9: {  	s3 =	sand.u32 $0x4000, s31;
	s1 =	sadd.s32 s1, s30  }
0xba: {  	s0 =	sor.u32 s3, s0;
	s1 =	sshll.u32 s1, $0x11  }
0xbb: {  	s0 =	sor.u32 s1, s0  }
0xbc: {  	s0 =	sadd.s32 $0x8F2B, s0  }
0xbd: {  	[sflag:s0] =	ssyncadd.remote.s32 $0x1  }
0xbe: {  	_ =	sfence.sel $0xFFFF  }
0xbf: {  	[dreg:$0x0] =	wrdreg $0xFFFFFFFF;
	(pc) =	sbr.abs _section_cstart, $3  }
0xc0: {  	[dreg:$0x1] =	wrdreg $0xFFFFFFFF  }
0xc1: {  	_ =	task.clear_ibuf [dreg:s7], $0x2FFFF;
	_ =	strace $0x9FFFFFFF  }
0xc2: {  	(tm) =	ssettm $0x7FFFFFFF  }
0xc3: {  	_ =	shalt  }
tec
execute0_lowered:
.L_overlay_start_1:
0x0: {  	(tag) =	ssettag $0x1  }
0x1: {  	s2 =	rddreg [dreg:$0x0]  }
0x2: {  	s6 =	rddreg [dreg:$0x1]  }
0x3: {  	s0 =	rddreg [dreg:$0x2]  }
0x4: {  	s4 =	srdreg.scid;
	s1 =	stileid.u32;
	s3 =	simm.s32 $0x0  }
0x5: {  	s11 =	simm.s32 $0x80;
	s12 =	simm.s32 $0x1;
	s13 =	simm.s32 $0x6C00  }
0x6: {  	s14 =	simm.s32 $0x9000;
	s15 =	simm.s32 $0xD000;
	s16 =	simm.s32 $0x2  }
0x7: {  	s17 =	simm.s32 $0x3;
	s5 =	sand.u32 $0x1, s4;
	s31 =	sshll.u32 s1, $0x1  }
0x8: {  	s18 =	simm.s32 $0x11000;
	s19 =	simm.s32 $0x0;
	s7 =	sor.u32 s5, s31  }
0x9: {  	[smem:$0x7FF] =	sst s3;
	s9 =	ssub.s32 $0x2, s5;
	s8 =	smul.u32 $0x1400, s7  }
0xa: {  	s4 =	sadd.s32 $0x600, s2;
	s7 =	smul.u32 $0x480, s7;
	s10 =	sshrl.u32 s9, $0x1  }
0xb: {  	_ =	strace $0x80000047;
	s5 =	sadd.s32 $0x8800, s2;
	s9 =	ssub.s32 s9, s10  }
0xc: {  	s10 =	simm.s32 $0x4800;
	s8 =	sadd.s32 s8, s2;
	s6 =	sadd.s32 s6, s7  }
0xd: {  	v0 =	vimm.f32 $0.0e+00;
	s7 =	sadd.s32 $0x440800, s8;
	s8 =	smax.u32 s9, $0x1;
	s9 =	simm.s32 $0x4  }
.LBB2_1:
0xe: {  	[tilespmem:s3], [sflag:$0x4] =	stream.linear.gather [hbm4b:s6+s3], $0x2200, $0x38;
	[tilespmem:$0x1B000] =	vst v63  }
0xf: {  	_ =	swait.ge [sflag:s9], $0x2200  }
0x10: {  	[sflag:s9] =	ssyncset.done $0x0  }
0x11: {  	[sflag:s9] =	ssyncadd.s32 $0xFFFFDE00  }
0x12: {  	[tilespmem:s10], [sflag:$0x4] =	stream.linear.gather [hbm4b:s2+s3], $0x2200, $0x38;
	[tilespmem:$0x1B000] =	vst v63  }
0x13: {  	_ =	swait.ge [sflag:s9], $0x2200  }
0x14: {  	[sflag:s9] =	ssyncset.done $0x0  }
0x15: {  	s20 =	simm.s32 $0x0;
	s21 =	simm.s32 $0x2400;
	[sflag:s9] =	ssyncadd.s32 $0xFFFFDE00  }
0x16: {  	[tilespmem:s21], [sflag:$0x1] =	stream.indirect.gather [hbm4b:s4+s11], $0x1, s20, s11, $0xb8;
	[tilespmem:$0x1B000] =	vst v63  }
0x17: {  	s20 =	simm.s32 $0x200;
	_ =	swait.ge [sflag:s12], $0x80  }
.LBB2_2:
0x18: {  	s21 =	sshra.s32 s20, $0x2;
	[sflag:s12] =	ssyncset.done $0x0;
	p0 =	sne.s32 s20, $0x8600  }
.Ltmp0:
0x19: {  	s22 =	sadd.s32 $0x2400, s21;
	[sflag:s12] =	ssyncadd.s32 $0xFFFFFF80;
	(pc) =	sbr.rel @p0 .LBB2_2-.Ltmp0, $3  }
0x1a: {  	[tilespmem:s22], [sflag:$0x1] =	stream.indirect.gather [hbm4b:s4+s11], $0x1, s21, s11, $0xb8;
	[tilespmem:$0x1B000] =	vst v63  }
0x1b: {  	s20 =	sadd.s32 $0x200, s20;
	_ =	sdelay $0x1  }
0x1c: {  	_ =	swait.ge [sflag:s12], $0x80  }
0x1d: {  	[sflag:s12] =	ssyncset.done $0x0  }
0x1e: {  	s20 =	simm.s32 $0x0;
	[sflag:s12] =	ssyncadd.s32 $0xFFFFFF80  }
0x1f: {  	v1 =	vld [tilespmem:s20+$0x2470]  }
0x20: {  	v2 =	vld [tilespmem:s20+$0x4870]  }
0x21: {  	v3 =	vld [tilespmem:s20+$0x2400]  }
0x22: {  	v4 =	vld [tilespmem:s20+$0x4800]  }
0x23: {  	v5 =	vld [tilespmem:s20+$0x2410]  }
0x24: {  	v6 =	vld [tilespmem:s20+$0x4810]  }
0x25: {  	v7 =	vld [tilespmem:s20+$0x2420]  }
0x26: {  	vm0 =	vlt.s32 v1, $0x0;
	v1 =	vadd.s32 v1, v2;
	v2 =	vld [tilespmem:s20+$0x4820]  }
0x27: {  	v8 =	vld [tilespmem:s20+$0x2430];
	v1 =	vsel vm0, $0x27F8, v1;
	vm0 =	vlt.s32 v3, $0x0;
	v3 =	vadd.s32 v3, v4  }
0x28: {  	v9 =	vld [tilespmem:s20+$0x4830];
	[tilespmem:s20+$0x6C70] =	vst v1;
	v1 =	vsel vm0, $0x27F8, v3  }
0x29: {  	v10 =	vld [tilespmem:s20+$0x4840];
	vm0 =	vlt.s32 v5, $0x0;
	[tilespmem:s20+$0x6C00] =	vst v1;
	v1 =	vadd.s32 v5, v6  }
0x2a: {  	v6 =	vld [tilespmem:s20+$0x2440];
	v1 =	vsel vm0, $0x27F8, v1  }
0x2b: {  	v3 =	vld [tilespmem:s20+$0x2450];
	vm0 =	vlt.s32 v7, $0x0;
	[tilespmem:s20+$0x6C10] =	vst v1;
	v1 =	vadd.s32 v7, v2  }
0x2c: {  	v4 =	vld [tilespmem:s20+$0x4850];
	v1 =	vsel vm0, $0x27F8, v1  }
0x2d: {  	v2 =	vadd.s32 v8, v9;
	vm0 =	vlt.s32 v8, $0x0;
	[tilespmem:s20+$0x6C20] =	vst v1;
	v1 =	vld [tilespmem:s20+$0x2460]  }
0x2e: {  	s22 =	simm.s32 $0x80;
	v5 =	vld [tilespmem:s20+$0x4860];
	v7 =	vsel vm0, $0x27F8, v2  }
0x2f: {  	s21 =	simm.s32 $0x200;
	s24 =	simm.s32 $0x400;
	s23 =	simm.s32 $0x0;
	v2 =	vld [tilespmem:s22+$0x2470];
	vm0 =	vlt.s32 v6, $0x0;
	[tilespmem:s20+$0x6C30] =	vst v7;
	v6 =	vadd.s32 v6, v10  }
.LBB2_4:
0x30: {  	p0 =	sne.s32 s24, $0x8600;
	v7 =	vld [tilespmem:s22+$0x4870];
	v6 =	vsel vm0, $0x27F8, v6;
	vm0 =	vlt.s32 v3, $0x0  }
0x31: {  	v8 =	vld [tilespmem:s22+$0x2400];
	[tilespmem:s23+$0x6C40] =	vst v6;
	v3 =	vadd.s32 v3, v4  }
0x32: {  	v4 =	vld [tilespmem:s22+$0x4800];
	v3 =	vsel vm0, $0x27F8, v3;
	vm0 =	vlt.s32 v1, $0x0  }
0x33: {  	v6 =	vld [tilespmem:s22+$0x2410];
	[tilespmem:s23+$0x6C50] =	vst v3;
	v1 =	vadd.s32 v1, v5  }
0x34: {  	v3 =	vld [tilespmem:s22+$0x4810];
	v1 =	vsel vm0, $0x27F8, v1  }
0x35: {  	vm0 =	vlt.s32 v2, $0x0;
	v5 =	vld [tilespmem:s22+$0x2420];
	v2 =	vadd.s32 v2, v7;
	[tilespmem:s23+$0x6C60] =	vst v1;
	s23 =	smov.u32 s22  }
0x36: {  	vm1 =	vlt.s32 v8, $0x0;
	v1 =	vld [tilespmem:s23+$0x4820];
	v2 =	vsel vm0, $0x27F8, v2  }
0x37: {  	v4 =	vadd.s32 v8, v4;
	v7 =	vld [tilespmem:s23+$0x2430];
	[tilespmem:s23+$0x6C70] =	vst v2  }
0x38: {  	v2 =	vsel vm1, $0x27F8, v4;
	vm0 =	vlt.s32 v6, $0x0;
	v8 =	vld [tilespmem:s23+$0x4830]  }
0x39: {  	[tilespmem:s23+$0x6C00] =	vst v2;
	v2 =	vadd.s32 v6, v3;
	v6 =	vld [tilespmem:s23+$0x2440]  }
0x3a: {  	v2 =	vsel vm0, $0x27F8, v2;
	vm0 =	vlt.s32 v5, $0x0;
	v9 =	vld [tilespmem:s23+$0x4840]  }
.Ltmp1:
0x3b: {  	[tilespmem:s23+$0x6C10] =	vst v2;
	v1 =	vadd.s32 v5, v1;
	v3 =	vld [tilespmem:s23+$0x2450];
	(pc) =	sbr.rel @p0 .LBB2_4-.Ltmp1, $4  }
0x3c: {  	v1 =	vsel vm0, $0x27F8, v1;
	vm0 =	vlt.s32 v7, $0x0;
	v4 =	vld [tilespmem:s23+$0x4850]  }
0x3d: {  	[tilespmem:s23+$0x6C20] =	vst v1;
	v2 =	vadd.s32 v7, v8;
	v1 =	vld [tilespmem:s23+$0x2460]  }
0x3e: {  	s22 =	sshra.s32 s24, $0x2;
	v7 =	vsel vm0, $0x27F8, v2;
	vm0 =	vlt.s32 v6, $0x0;
	v5 =	vld [tilespmem:s23+$0x4860]  }
0x3f: {  	s24 =	sadd.s32 $0x200, s24;
	v2 =	vld [tilespmem:s22+$0x2470];
	[tilespmem:s23+$0x6C30] =	vst v7;
	v6 =	vadd.s32 v6, v9  }
0x40: {  	v7 =	vld [tilespmem:s22+$0x4870];
	v6 =	vsel vm0, $0x27F8, v6  }
0x41: {  	v8 =	vld [tilespmem:s22+$0x2400];
	vm6 =	vlt.s32 v3, $0x0;
	[tilespmem:s23+$0x6C40] =	vst v6;
	v3 =	vadd.s32 v3, v4  }
0x42: {  	v57 =	vld [tilespmem:s22+$0x4800];
	v3 =	vsel vm6, $0x27F8, v3  }
0x43: {  	v6 =	vld [tilespmem:s22+$0x2410];
	vm7 =	vlt.s32 v1, $0x0;
	[tilespmem:s23+$0x6C50] =	vst v3;
	v1 =	vadd.s32 v1, v5  }
0x44: {  	v3 =	vld [tilespmem:s22+$0x4810];
	v1 =	vsel vm7, $0x27F8, v1  }
0x45: {  	v58 =	vld [tilespmem:s22+$0x2420];
	[tilespmem:s23+$0x6C60] =	vst v1  }
0x46: {  	vm8 =	vlt.s32 v2, $0x0;
	v1 =	vadd.s32 v2, v7;
	v2 =	vld [tilespmem:s22+$0x4820]  }
0x47: {  	v59 =	vld [tilespmem:s22+$0x2430]  }
0x48: {  	vm9 =	vlt.s32 v8, $0x0;
	v1 =	vsel vm8, $0x27F8, v1;
	v60 =	vld [tilespmem:s22+$0x4830];
	v4 =	vadd.s32 v8, v57  }
0x49: {  	v61 =	vld [tilespmem:s22+$0x4840];
	[tilespmem:s22+$0x6C70] =	vst v1;
	v1 =	vsel vm9, $0x27F8, v4  }
0x4a: {  	v62 =	vld [tilespmem:s22+$0x4850];
	vm10 =	vlt.s32 v6, $0x0;
	[tilespmem:s22+$0x6C00] =	vst v1;
	v1 =	vadd.s32 v6, v3  }
0x4b: {  	v63 =	vld [tilespmem:s22+$0x4860];
	v1 =	vsel vm10, $0x27F8, v1  }
0x4c: {  	v3 =	vld [tilespmem:s22+$0x2440];
	vm11 =	vlt.s32 v58, $0x0;
	[tilespmem:s22+$0x6C10] =	vst v1;
	v1 =	vadd.s32 v58, v2  }
0x4d: {  	v2 =	vld [tilespmem:s22+$0x2450];
	v1 =	vsel vm11, $0x27F8, v1  }
0x4e: {  	[tilespmem:s22+$0x6C20] =	vst v1;
	v1 =	vld [tilespmem:s22+$0x2460];
	_ =	sdelay $0x1  }
0x4f: {  	vm12 =	vlt.s32 v59, $0x0;
	v4 =	vadd.s32 v59, v60  }
0x50: {  	v4 =	vsel vm12, $0x27F8, v4;
	vm13 =	vlt.s32 v3, $0x0;
	v3 =	vadd.s32 v3, v61  }
0x51: {  	[tilespmem:s22+$0x6C30] =	vst v4;
	v3 =	vsel vm13, $0x27F8, v3;
	vm14 =	vlt.s32 v2, $0x0;
	v2 =	vadd.s32 v2, v62  }
0x52: {  	[tilespmem:s22+$0x6C40] =	vst v3;
	v2 =	vsel vm14, $0x27F8, v2;
	vm15 =	vlt.s32 v1, $0x0;
	v1 =	vadd.s32 v1, v63  }
0x53: {  	[tilespmem:s22+$0x6C50] =	vst v2;
	v1 =	vsel vm15, $0x27F8, v1  }
0x54: {  	[tilespmem:s22+$0x6C60] =	vst v1  }
.LBB2_6:
0x55: {  	p0 =	sne.s32 s21, $0x27E00;
	[tilespmem:s20+$0x11070] =	vst v0  }
0x56: {  	[tilespmem:s20+$0x11000] =	vst v0  }
0x57: {  	[tilespmem:s20+$0x11010] =	vst v0  }
.Ltmp2:
0x58: {  	[tilespmem:s20+$0x11020] =	vst v0;
	(pc) =	sbr.rel @p0 .LBB2_6-.Ltmp2, $4  }
0x59: {  	[tilespmem:s20+$0x11030] =	vst v0  }
0x5a: {  	[tilespmem:s20+$0x11040] =	vst v0  }
0x5b: {  	[tilespmem:s20+$0x11050] =	vst v0  }
0x5c: {  	[tilespmem:s20+$0x11060] =	vst v0;
	s20 =	sshra.s32 s21, $0x2;
	s21 =	sadd.s32 $0x200, s21  }
0x5d: {  	[tilespmem:s20+$0x11070] =	vst v0  }
0x5e: {  	[tilespmem:s20+$0x11000] =	vst v0  }
0x5f: {  	[tilespmem:s20+$0x11010] =	vst v0  }
0x60: {  	[tilespmem:s20+$0x11020] =	vst v0  }
0x61: {  	[tilespmem:s20+$0x11030] =	vst v0  }
0x62: {  	[tilespmem:s20+$0x11040] =	vst v0  }
0x63: {  	[tilespmem:s20+$0x11050] =	vst v0  }
0x64: {  	[tilespmem:s20+$0x11060] =	vst v0;
	s20 =	simm.s32 $0x80  }
0x65: {  	s21 =	simm.s32 $0x0;
	s22 =	simm.s32 $0x11000;
	s23 =	simm.s32 $0x0  }
0x66: {  	[tilespmem:s14], [sflag:$0x2] =	stream.indirect.gather [hbm4b:s5+s20], $0x80, s13, s20, $0xb8;
	[tilespmem:$0x1B000] =	vst v63  }
.LBB2_8:
0x67: {  	s24 =	sshll.u32 s23, $0x8  }
0x68: {  	s24 =	sadd.s32 $0x6C80, s24  }
0x69: {  	[tilespmem:s15], [sflag:$0x3] =	stream.indirect.gather [hbm4b:s5+s11], $0x80, s24, s11, $0xb8;
	[tilespmem:$0x1B000] =	vst v63  }
0x6a: {  	s31 =	smulhi.u32 $0xCCCCCCCD, s21;
	_ =	swait.ge [sflag:s16], $0x4000  }
0x6b: {  	[sflag:s16] =	ssyncset.done $0x0  }
0x6c: {  	s28 =	simm.s32 $0x0;
	s24 =	sshrl.u32 s31, $0x8;
	[sflag:s16] =	ssyncadd.s32 $0xFFFFC000  }
0x6d: {  	s24 =	smul.u32 $0xFFFD8000, s24;
	v1 =	vld [tilespmem:s28+$0x9000];
	_ =	sdelay $0x1  }
0x6e: {  	s24 =	sshra.s32 s24, $0x2  }
0x6f: {  	s24 =	sadd.s32 s24, s22  }
0x70: {  	s24 =	sadd.s32 $0x0, s24  }
0x71: {  	[tilespmem:s24+$0x0] =	vst.add.f32.msk $0xffff, v1  }
0x72: {  	v1 =	vld [tilespmem:s28+$0x9010];
	_ =	sdelay $0x4  }
0x73: {  	[tilespmem:s24+$0x10] =	vst.add.f32.msk $0xffff, v1  }
0x74: {  	v1 =	vld [tilespmem:s28+$0x9020];
	_ =	sdelay $0x4  }
0x75: {  	[tilespmem:s24+$0x20] =	vst.add.f32.msk $0xffff, v1  }
0x76: {  	v1 =	vld [tilespmem:s28+$0x9030];
	_ =	sdelay $0x4  }
0x77: {  	[tilespmem:s24+$0x30] =	vst.add.f32.msk $0xffff, v1  }
0x78: {  	v1 =	vld [tilespmem:s28+$0x9040];
	_ =	sdelay $0x4  }
0x79: {  	[tilespmem:s24+$0x40] =	vst.add.f32.msk $0xffff, v1  }
0x7a: {  	v1 =	vld [tilespmem:s28+$0x9050];
	_ =	sdelay $0x4  }
0x7b: {  	[tilespmem:s24+$0x50] =	vst.add.f32.msk $0xffff, v1  }
0x7c: {  	v1 =	vld [tilespmem:s28+$0x9060];
	_ =	sdelay $0x4  }
0x7d: {  	[tilespmem:s24+$0x60] =	vst.add.f32.msk $0xffff, v1  }
0x7e: {  	v1 =	vld [tilespmem:s28+$0x9070];
	_ =	sdelay $0x1  }
0x7f: {  	s25 =	sadd.s32 $0x1, s21  }
0x80: {  	s26 =	simm.s32 $0x200;
	s29 =	smulhi.u32 $0xCCCCCCCD, s25;
	s28 =	simm.s32 $0x400  }
.LBB2_9:
0x81: {  	p0 =	sne.s32 s28, $0xFE00  }
0x82: {  	s30 =	sshrl.u32 s29, $0x8;
	s29 =	sshra.s32 s26, $0x2;
	[tilespmem:s24+$0x70] =	vst.add.f32.msk $0xffff, v1;
	s26 =	smov.u32 s28  }
0x83: {  	s24 =	smul.u32 $0xFFFD8000, s30;
	v1 =	vld [tilespmem:s29+$0x9000];
	_ =	sdelay $0x1  }
0x84: {  	s24 =	sshra.s32 s24, $0x2  }
0x85: {  	s24 =	sadd.s32 s24, s22  }
0x86: {  	s24 =	sadd.s32 s29, s24  }
0x87: {  	[tilespmem:s24+$0x0] =	vst.add.f32.msk $0xffff, v1  }
0x88: {  	v1 =	vld [tilespmem:s29+$0x9010];
	_ =	sdelay $0x4  }
0x89: {  	[tilespmem:s24+$0x10] =	vst.add.f32.msk $0xffff, v1  }
0x8a: {  	v1 =	vld [tilespmem:s29+$0x9020];
	_ =	sdelay $0x4  }
0x8b: {  	[tilespmem:s24+$0x20] =	vst.add.f32.msk $0xffff, v1  }
0x8c: {  	v1 =	vld [tilespmem:s29+$0x9030];
	_ =	sdelay $0x4  }
0x8d: {  	[tilespmem:s24+$0x30] =	vst.add.f32.msk $0xffff, v1  }
0x8e: {  	v1 =	vld [tilespmem:s29+$0x9040];
	_ =	sdelay $0x4  }
0x8f: {  	[tilespmem:s24+$0x40] =	vst.add.f32.msk $0xffff, v1  }
0x90: {  	v1 =	vld [tilespmem:s29+$0x9050];
	_ =	sdelay $0x4  }
0x91: {  	[tilespmem:s24+$0x50] =	vst.add.f32.msk $0xffff, v1  }
0x92: {  	v1 =	vld [tilespmem:s29+$0x9060];
	_ =	sdelay $0x4  }
.Ltmp3:
0x93: {  	[tilespmem:s24+$0x60] =	vst.add.f32.msk $0xffff, v1;
	(pc) =	sbr.rel @p0 .LBB2_9-.Ltmp3, $3  }
0x94: {  	v1 =	vld [tilespmem:s29+$0x9070];
	_ =	sdelay $0x1  }
0x95: {  	s25 =	sadd.s32 $0x1, s25  }
0x96: {  	s28 =	sadd.s32 $0x200, s28;
	s29 =	smulhi.u32 $0xCCCCCCCD, s25  }
0x97: {  	_ = 	snop  }
0x98: {  	s26 =	sshra.s32 s26, $0x2;
	s25 =	sshrl.u32 s29, $0x8;
	[tilespmem:s24+$0x70] =	vst.add.f32.msk $0xffff, v1  }
0x99: {  	s30 =	smul.u32 $0xFFFD8000, s25;
	v1 =	vld [tilespmem:s26+$0x9000];
	_ =	sdelay $0x1  }
0x9a: {  	s24 =	sshra.s32 s30, $0x2  }
0x9b: {  	s24 =	sadd.s32 s24, s22  }
0x9c: {  	s24 =	sadd.s32 s26, s24  }
0x9d: {  	[tilespmem:s24+$0x0] =	vst.add.f32.msk $0xffff, v1  }
0x9e: {  	v1 =	vld [tilespmem:s26+$0x9010];
	_ =	sdelay $0x4  }
0x9f: {  	[tilespmem:s24+$0x10] =	vst.add.f32.msk $0xffff, v1  }
0xa0: {  	v1 =	vld [tilespmem:s26+$0x9020];
	_ =	sdelay $0x4  }
0xa1: {  	[tilespmem:s24+$0x20] =	vst.add.f32.msk $0xffff, v1  }
0xa2: {  	v1 =	vld [tilespmem:s26+$0x9030];
	_ =	sdelay $0x4  }
0xa3: {  	[tilespmem:s24+$0x30] =	vst.add.f32.msk $0xffff, v1  }
0xa4: {  	v1 =	vld [tilespmem:s26+$0x9040];
	_ =	sdelay $0x4  }
0xa5: {  	[tilespmem:s24+$0x40] =	vst.add.f32.msk $0xffff, v1  }
0xa6: {  	v1 =	vld [tilespmem:s26+$0x9050];
	_ =	sdelay $0x4  }
0xa7: {  	[tilespmem:s24+$0x50] =	vst.add.f32.msk $0xffff, v1  }
0xa8: {  	v1 =	vld [tilespmem:s26+$0x9060];
	_ =	sdelay $0x4  }
0xa9: {  	[tilespmem:s24+$0x60] =	vst.add.f32.msk $0xffff, v1  }
0xaa: {  	v1 =	vld [tilespmem:s26+$0x9070];
	_ =	sdelay $0x1  }
0xab: {  	p0 =	seq.s32 s23, $0x21  }
0xac: {  	s25 =	sshll.u32 @!p0 s23, $0x8  }
0xad: {  	s25 =	sand.u32 @!p0 $0x3FFFFF00, s25  }
0xae: {  	s26 =	simm.s32 @!p0 $0x9000;
	[tilespmem:s24+$0x70] =	vst.add.f32.msk $0xffff, v1;
	s24 =	sadd.s32 @!p0 $0x6D00, s25;
	s25 =	simm.s32 @!p0 $0x80  }
0xaf: {  	[tilespmem:s26], [sflag:$0x2] =	stream.indirect.gather @!p0 [hbm4b:s5+s25], $0x80, s24, s25, $0xb8;
	[tilespmem:$0x1B000] =	vst v63  }
0xb0: {  	s31 =	smulhi.u32 $0xCCCCCCCD, s20;
	_ =	swait.ge [sflag:s17], $0x4000  }
0xb1: {  	[sflag:s17] =	ssyncset.done $0x0  }
0xb2: {  	s28 =	simm.s32 $0x0;
	s24 =	sshrl.u32 s31, $0x8;
	[sflag:s17] =	ssyncadd.s32 $0xFFFFC000  }
0xb3: {  	s24 =	smul.u32 $0xFFFD8000, s24;
	v1 =	vld [tilespmem:s28+$0xD000];
	_ =	sdelay $0x1  }
0xb4: {  	s24 =	sshra.s32 s24, $0x2  }
0xb5: {  	s24 =	sadd.s32 s24, s22  }
0xb6: {  	s24 =	sadd.s32 $0x0, s24  }
0xb7: {  	[tilespmem:s24+$0x4000] =	vst.add.f32.msk $0xffff, v1  }
0xb8: {  	v1 =	vld [tilespmem:s28+$0xD010];
	_ =	sdelay $0x4  }
0xb9: {  	[tilespmem:s24+$0x4010] =	vst.add.f32.msk $0xffff, v1  }
0xba: {  	v1 =	vld [tilespmem:s28+$0xD020];
	_ =	sdelay $0x4  }
0xbb: {  	[tilespmem:s24+$0x4020] =	vst.add.f32.msk $0xffff, v1  }
0xbc: {  	v1 =	vld [tilespmem:s28+$0xD030];
	_ =	sdelay $0x4  }
0xbd: {  	[tilespmem:s24+$0x4030] =	vst.add.f32.msk $0xffff, v1  }
0xbe: {  	v1 =	vld [tilespmem:s28+$0xD040];
	_ =	sdelay $0x4  }
0xbf: {  	[tilespmem:s24+$0x4040] =	vst.add.f32.msk $0xffff, v1  }
0xc0: {  	v1 =	vld [tilespmem:s28+$0xD050];
	_ =	sdelay $0x4  }
0xc1: {  	[tilespmem:s24+$0x4050] =	vst.add.f32.msk $0xffff, v1  }
0xc2: {  	v1 =	vld [tilespmem:s28+$0xD060];
	_ =	sdelay $0x4  }
0xc3: {  	[tilespmem:s24+$0x4060] =	vst.add.f32.msk $0xffff, v1  }
0xc4: {  	v1 =	vld [tilespmem:s28+$0xD070];
	_ =	sdelay $0x1  }
0xc5: {  	s25 =	sadd.s32 $0x1, s20  }
0xc6: {  	s26 =	simm.s32 $0x200;
	s29 =	smulhi.u32 $0xCCCCCCCD, s25;
	s28 =	simm.s32 $0x400  }
.LBB2_11:
0xc7: {  	p0 =	sne.s32 s28, $0xFE00  }
0xc8: {  	s30 =	sshrl.u32 s29, $0x8;
	s29 =	sshra.s32 s26, $0x2;
	[tilespmem:s24+$0x4070] =	vst.add.f32.msk $0xffff, v1;
	s26 =	smov.u32 s28  }
0xc9: {  	s24 =	smul.u32 $0xFFFD8000, s30;
	v1 =	vld [tilespmem:s29+$0xD000];
	_ =	sdelay $0x1  }
0xca: {  	s24 =	sshra.s32 s24, $0x2  }
0xcb: {  	s24 =	sadd.s32 s24, s22  }
0xcc: {  	s24 =	sadd.s32 s29, s24  }
0xcd: {  	[tilespmem:s24+$0x4000] =	vst.add.f32.msk $0xffff, v1  }
0xce: {  	v1 =	vld [tilespmem:s29+$0xD010];
	_ =	sdelay $0x4  }
0xcf: {  	[tilespmem:s24+$0x4010] =	vst.add.f32.msk $0xffff, v1  }
0xd0: {  	v1 =	vld [tilespmem:s29+$0xD020];
	_ =	sdelay $0x4  }
0xd1: {  	[tilespmem:s24+$0x4020] =	vst.add.f32.msk $0xffff, v1  }
0xd2: {  	v1 =	vld [tilespmem:s29+$0xD030];
	_ =	sdelay $0x4  }
0xd3: {  	[tilespmem:s24+$0x4030] =	vst.add.f32.msk $0xffff, v1  }
0xd4: {  	v1 =	vld [tilespmem:s29+$0xD040];
	_ =	sdelay $0x4  }
0xd5: {  	[tilespmem:s24+$0x4040] =	vst.add.f32.msk $0xffff, v1  }
0xd6: {  	v1 =	vld [tilespmem:s29+$0xD050];
	_ =	sdelay $0x4  }
0xd7: {  	[tilespmem:s24+$0x4050] =	vst.add.f32.msk $0xffff, v1  }
0xd8: {  	v1 =	vld [tilespmem:s29+$0xD060];
	_ =	sdelay $0x4  }
.Ltmp4:
0xd9: {  	[tilespmem:s24+$0x4060] =	vst.add.f32.msk $0xffff, v1;
	(pc) =	sbr.rel @p0 .LBB2_11-.Ltmp4, $3  }
0xda: {  	v1 =	vld [tilespmem:s29+$0xD070];
	_ =	sdelay $0x1  }
0xdb: {  	s25 =	sadd.s32 $0x1, s25  }
0xdc: {  	s28 =	sadd.s32 $0x200, s28;
	s29 =	smulhi.u32 $0xCCCCCCCD, s25  }
0xdd: {  	_ = 	snop  }
0xde: {  	s26 =	sshra.s32 s26, $0x2;
	s25 =	sshrl.u32 s29, $0x8;
	[tilespmem:s24+$0x4070] =	vst.add.f32.msk $0xffff, v1  }
0xdf: {  	s31 =	smul.u32 $0xFFFD8000, s25;
	v1 =	vld [tilespmem:s26+$0xD000];
	_ =	sdelay $0x1  }
0xe0: {  	s24 =	sshra.s32 s31, $0x2  }
0xe1: {  	s24 =	sadd.s32 s24, s22  }
0xe2: {  	s24 =	sadd.s32 s26, s24  }
0xe3: {  	[tilespmem:s24+$0x4000] =	vst.add.f32.msk $0xffff, v1  }
0xe4: {  	v1 =	vld [tilespmem:s26+$0xD010];
	_ =	sdelay $0x4  }
0xe5: {  	[tilespmem:s24+$0x4010] =	vst.add.f32.msk $0xffff, v1  }
0xe6: {  	v1 =	vld [tilespmem:s26+$0xD020];
	_ =	sdelay $0x4  }
0xe7: {  	[tilespmem:s24+$0x4020] =	vst.add.f32.msk $0xffff, v1  }
0xe8: {  	v1 =	vld [tilespmem:s26+$0xD030];
	_ =	sdelay $0x4  }
0xe9: {  	[tilespmem:s24+$0x4030] =	vst.add.f32.msk $0xffff, v1  }
0xea: {  	v1 =	vld [tilespmem:s26+$0xD040];
	_ =	sdelay $0x4  }
0xeb: {  	[tilespmem:s24+$0x4040] =	vst.add.f32.msk $0xffff, v1  }
0xec: {  	v1 =	vld [tilespmem:s26+$0xD050];
	_ =	sdelay $0x4  }
0xed: {  	[tilespmem:s24+$0x4050] =	vst.add.f32.msk $0xffff, v1  }
0xee: {  	v1 =	vld [tilespmem:s26+$0xD060];
	_ =	sdelay $0x4  }
0xef: {  	s23 =	sadd.s32 $0x1, s23;
	[tilespmem:s24+$0x4060] =	vst.add.f32.msk $0xffff, v1  }
0xf0: {  	p0 =	sne.s32 s23, $0x22;
	v1 =	vld [tilespmem:s26+$0xD070]  }
.Ltmp5:
0xf1: {  	_ = 	snop;
	(pc) =	sbr.rel @p0 .LBB2_8-.Ltmp5, $2  }
0xf2: {  	_ =	sdelay $0x2  }
0xf3: {  	s21 =	sadd.s32 $0x100, s21;
	s20 =	sadd.s32 $0x100, s20;
	s22 =	sadd.s32 $0x8000, s22;
	[tilespmem:s24+$0x4070] =	vst.add.f32.msk $0xffff, v1  }
0xf4: {  	s19 =	sadd.s32 $0x1, s19  }
0xf5: {  	p0 =	sne.s32 s19, s8  }
.Ltmp6:
0xf6: {  	_ = 	snop;
	(pc) =	sbr.rel @p0 .LBB2_1-.Ltmp6, $4  }
0xf7: {  	[hbm4b:s7+s3] =	stream.linear.scatter [tilespmem:s18], [sflag:$0x4], $0xA000, $0x38;
	[tilespmem:$0x1B000] =	vst v63  }
0xf8: {  	_ =	swait.ge [sflag:s9], $0xA000  }
0xf9: {  	[sflag:s9] =	ssyncset.done $0x0  }
0xfa: {  	[sflag:s9] =	ssyncadd.s32 $0xFFFF6000  }
0xfb: {  	_ =	sfence.sel $0x180000  }
0xfc: {  	[bflag:$0x0] =	sbarrier.arrive $0xFFFF  }
0xfd: {  	p0 =	sne.s32 s1, $0x0;
	_ =	strace $0x90000047  }
0xfe: {  	s0 =	sadd.s32 @!p0 $0x100000, s0;
	[bflag:$0x2] =	sbarrier.arrive $0xFFFF  }
0xff: {  	[sflag:s0] =	ssyncadd.tile.s32 @!p0 $0x1;
	_ =	shalt  }
.Lfunc_end2:
_tile_overlayer_lowered:
.L_overlay_start_2:
0x100: {  	(tag) =	ssettag $0x2  }
0x101: {  	s0 =	rddreg [dreg:$0x0];
	s2 =	stileid.u32  }
0x102: {  	s1 =	rddreg [dreg:$0x1];
	p0 =	sne.s32 s2, $0x0  }
0x103: {  	s3 =	rddreg [dreg:$0x2];
	[bflag:$0x3] =	sbarrier.arrive $0xFFFF;
	s2 =	simm.s32 @!p0 $0x1C04  }
0x104: {  	[timem:s3], [sflag:s2] =	dma.local @!p0 [hbm:s0], s1  }
0x105: {  	s0 =	simm.s32 @!p0 $0x4  }
0x106: {  	_ =	swait.ge @!p0 [sflag:s0], s1  }
0x107: {  	s1 =	ssub.s32 @!p0 $0x0, s1;
	[sflag:s0] =	ssyncset.done @!p0 $0x0  }
0x108: {  	[sflag:s0] =	ssyncadd.s32 @!p0 s1  }
0x109: {  	[bflag:$0x3] =	sbarrier.arrive $0xFFFF  }
0x10a: {  	_ =	shalt  }

</sc_bundles>
